<compile_context>
chip_gen: v7x
topology: tpu7x:2x2x1
jax: 0.10.2.dev20260603
libtpu: 0.0.44.dev20260713+nightly
codegen_flags: <defaults>
</compile_context>

<pallas_src>
import functools

import jax
import jax.numpy as jnp
import numpy as np
from jax import lax
from jax.experimental import pallas as pl
from jax.experimental.pallas import tpu as pltpu
from jax.experimental.pallas import tpu_sc as plsc

_N_NODES = 10000
_N_EDGES = 320000
_D_SH = 9
_MUL = 32
_N_BASIS = 8
_R_MAX = 5.0
_EDGE_OH = 128
_CPL = 128
_LATENT = 128
_P_CUT = 6.0
_AVG_NEIGH = 32.0
_W_NUMEL = 3 * _MUL
_IRREPS = _MUL * (1 + 3 + 5)

_NC, _NS = 2, 16
_NW = _NC * _NS

_EPW = _N_EDGES // _NW
_GK = 128
_GPAIR = 39
_GTAIL = _EPW - 2 * _GPAIR * _GK

_CHA = 128
_CHB = _IRREPS - 2 * _CHA
_SK = 80
_EPT = _N_EDGES // _NS
_P1K = 64
_P1PAIR = _EPT // (2 * _P1K)
_P1TAIL = _EPT - 2 * _P1PAIR * _P1K
_EPT2 = _N_EDGES // _NW
_SCH2 = _EPT2 // _SK
_ZR = 16
_NBLK = _N_NODES // _ZR
_BPT = -(-_NBLK // _NS)


def _sc_mesh():
    return plsc.VectorSubcoreMesh(core_axis_name="c", subcore_axis_name="s",
                                  num_cores=_NC, num_subcores=_NS)


def _sc_gather(msg_cpl, ec, en):

    @functools.partial(
        pl.kernel,
        mesh=_sc_mesh(),
        out_type=[jax.ShapeDtypeStruct((_N_EDGES, _CPL), jnp.float32),
                  jax.ShapeDtypeStruct((_N_EDGES, _CPL), jnp.float32)],
        scratch_types=[pltpu.VMEM((_GK,), jnp.int32),
                       pltpu.VMEM((_GK,), jnp.int32),
                       pltpu.VMEM((_GK,), jnp.int32),
                       pltpu.VMEM((_GK,), jnp.int32),
                       pltpu.VMEM((_GK, _CPL), jnp.float32),
                       pltpu.VMEM((_GK, _CPL), jnp.float32),
                       pltpu.VMEM((_GK, _CPL), jnp.float32),
                       pltpu.VMEM((_GK, _CPL), jnp.float32),
                       pltpu.SemaphoreType.DMA,
                       pltpu.SemaphoreType.DMA,
                       pltpu.SemaphoreType.DMA],
    )
    def k(tbl, ec_h, en_h, outa, outb,
          ic0, in0, ic1, in1, ra0, rb0, ra1, rb1, sg0, sg1, sw):
        wid = lax.axis_index("s") * _NC + lax.axis_index("c")
        wbase = wid * _EPW

        def body(i2, carry):
            j0 = wbase + (2 * i2) * _GK
            j1 = j0 + _GK
            pltpu.sync_copy(ec_h.at[pl.ds(j0, _GK)], ic0)
            pltpu.sync_copy(en_h.at[pl.ds(j0, _GK)], in0)
            pltpu.sync_copy(ec_h.at[pl.ds(j1, _GK)], ic1)
            pltpu.sync_copy(en_h.at[pl.ds(j1, _GK)], in1)

            @pl.when(i2 > 0)
            def _():
                pltpu.make_async_copy(ra0, outa.at[pl.ds(j0, _GK)], sw).wait()
                pltpu.make_async_copy(rb0, outb.at[pl.ds(j0, _GK)], sw).wait()
                pltpu.make_async_copy(ra1, outa.at[pl.ds(j1, _GK)], sw).wait()
                pltpu.make_async_copy(rb1, outb.at[pl.ds(j1, _GK)], sw).wait()

            ga0 = pltpu.async_copy(tbl.at[ic0], ra0, sg0)
            gb0 = pltpu.async_copy(tbl.at[in0], rb0, sg0)
            ga1 = pltpu.async_copy(tbl.at[ic1], ra1, sg1)
            gb1 = pltpu.async_copy(tbl.at[in1], rb1, sg1)
            ga0.wait()
            gb0.wait()
            pltpu.async_copy(ra0, outa.at[pl.ds(j0, _GK)], sw)
            pltpu.async_copy(rb0, outb.at[pl.ds(j0, _GK)], sw)
            ga1.wait()
            gb1.wait()
            pltpu.async_copy(ra1, outa.at[pl.ds(j1, _GK)], sw)
            pltpu.async_copy(rb1, outb.at[pl.ds(j1, _GK)], sw)
            return carry

        lax.fori_loop(0, _GPAIR, body, 0)

        tb = wbase + 2 * _GPAIR * _GK
        pltpu.make_async_copy(ra0, outa.at[pl.ds(wbase, _GK)], sw).wait()
        pltpu.make_async_copy(rb0, outb.at[pl.ds(wbase, _GK)], sw).wait()
        pltpu.make_async_copy(ra1, outa.at[pl.ds(wbase, _GK)], sw).wait()
        pltpu.make_async_copy(rb1, outb.at[pl.ds(wbase, _GK)], sw).wait()

        pltpu.sync_copy(ec_h.at[pl.ds(tb, _GTAIL)], ic0.at[pl.ds(0, _GTAIL)])
        pltpu.sync_copy(en_h.at[pl.ds(tb, _GTAIL)], in0.at[pl.ds(0, _GTAIL)])
        ta = pltpu.async_copy(tbl.at[ic0.at[pl.ds(0, _GTAIL)]],
                              ra0.at[pl.ds(0, _GTAIL)], sg0)
        tn = pltpu.async_copy(tbl.at[in0.at[pl.ds(0, _GTAIL)]],
                              rb0.at[pl.ds(0, _GTAIL)], sg1)
        ta.wait()
        tn.wait()
        pltpu.sync_copy(ra0.at[pl.ds(0, _GTAIL)], outa.at[pl.ds(tb, _GTAIL)])
        pltpu.sync_copy(rb0.at[pl.ds(0, _GTAIL)], outb.at[pl.ds(tb, _GTAIL)])

    return k(msg_cpl, ec, en)


def _sc_scatter(ef, ec):

    @functools.partial(
        pl.kernel,
        mesh=_sc_mesh(),
        out_type=[jax.ShapeDtypeStruct((_N_NODES, 2 * _CHA), jnp.float32),
                  jax.ShapeDtypeStruct((_N_NODES, _CHB), jnp.float32),
                  jax.ShapeDtypeStruct((_N_NODES, _CHB), jnp.float32)],
        scratch_types=[pltpu.VMEM_SHARED((_N_NODES, _CHA), jnp.float32),
                       pltpu.VMEM((_ZR, _CHA), jnp.float32),
                       pltpu.VMEM((_SK,), jnp.int32),
                       pltpu.VMEM((_SK, _CHA), jnp.float32),
                       pltpu.VMEM((_SK, _CHB), jnp.float32),
                       pltpu.VMEM((_ZR, _CHA), jnp.float32),
                       pltpu.VMEM((_ZR, _CHB), jnp.float32),
                       pltpu.VMEM((_P1K,), jnp.int32),
                       pltpu.VMEM((_P1K,), jnp.int32),
                       pltpu.VMEM((_P1TAIL,), jnp.int32),
                       pltpu.VMEM((_P1K, _CHA), jnp.float32),
                       pltpu.VMEM((_P1K, _CHA), jnp.float32),
                       pltpu.SemaphoreType.DMA,
                       pltpu.SemaphoreType.DMA,
                       pltpu.SemaphoreType.DMA],
    )
    def k(ef_h, ec_h, out_h, t0_h, t1_h, acc, zb, idxv, rows, rowsc, wb, wbc,
          iv0, iv1, ivt, rw0, rw1, sr0, sr1, sadd):
        core = lax.axis_index("c")
        sid = lax.axis_index("s")
        ca = pl.multiple_of(core * _CHA, _CHA)
        zeros16 = jnp.zeros((16,), jnp.float32)
        scale = jnp.float32(1.0 / np.sqrt(_AVG_NEIGH))

        def zrow(i, carry):
            def zcol(j, c2):
                zb[i, pl.ds(j * 16, 16)] = zeros16
                return c2
            return lax.fori_loop(0, _CHA // 16, zcol, carry)
        lax.fori_loop(0, _ZR, zrow, 0)

        def zero_acc(i, carry):
            blk = sid * _BPT + i

            @pl.when(blk < _NBLK)
            def _():
                pltpu.sync_copy(zb, acc.at[pl.ds(blk * _ZR, _ZR)])
            return carry

        lax.fori_loop(0, _BPT, zero_acc, 0)
        plsc.subcore_barrier()

        tbase = sid * _EPT

        def body(i2, carry):
            j0 = tbase + (2 * i2) * _P1K
            j1 = j0 + _P1K
            pltpu.sync_copy(ec_h.at[pl.ds(j0, _P1K)], iv0)
            pltpu.sync_copy(ec_h.at[pl.ds(j1, _P1K)], iv1)

            @pl.when(i2 > 0)
            def _():
                pltpu.make_async_copy(rw0, acc.at[iv0], sadd).wait()
                pltpu.make_async_copy(rw1, acc.at[iv1], sadd).wait()

            c0 = pltpu.async_copy(
                ef_h.at[pl.ds(j0, _P1K), pl.ds(ca, _CHA)], rw0, sr0)
            c1 = pltpu.async_copy(
                ef_h.at[pl.ds(j1, _P1K), pl.ds(ca, _CHA)], rw1, sr1)
            c0.wait()
            pltpu.async_copy(rw0, acc.at[iv0], sadd, add=True)
            c1.wait()
            pltpu.async_copy(rw1, acc.at[iv1], sadd, add=True)
            return carry
        lax.fori_loop(0, _P1PAIR, body, 0)
        pltpu.make_async_copy(rw0, acc.at[iv0], sadd).wait()
        pltpu.make_async_copy(rw1, acc.at[iv1], sadd).wait()

        tb1 = tbase + 2 * _P1PAIR * _P1K
        pltpu.sync_copy(ec_h.at[pl.ds(tb1, _P1TAIL)], ivt)
        pltpu.sync_copy(ef_h.at[pl.ds(tb1, _P1TAIL), pl.ds(ca, _CHA)],
                        rw0.at[pl.ds(0, _P1TAIL)])
        pltpu.sync_copy(rw0.at[pl.ds(0, _P1TAIL)], acc.at[ivt], add=True)
        plsc.subcore_barrier()

        def wbody(i, carry):
            blk = sid * _BPT + i

            @pl.when(blk < _NBLK)
            def _():
                r0 = blk * _ZR
                pltpu.sync_copy(acc.at[pl.ds(r0, _ZR)], wb)

                def srow(ii, c2):
                    def scol(jj, c3):
                        wb[ii, pl.ds(jj * 16, 16)] = (
                            wb[ii, pl.ds(jj * 16, 16)] * scale)
                        return c3
                    return lax.fori_loop(0, _CHA // 16, scol, c2)
                lax.fori_loop(0, _ZR, srow, 0)
                pltpu.sync_copy(wb, out_h.at[pl.ds(r0, _ZR), pl.ds(ca, _CHA)])
            return carry
        lax.fori_loop(0, _BPT, wbody, 0)
        plsc.subcore_barrier()

        lax.fori_loop(0, _BPT, zero_acc, 0)

        def prow(i, carry):
            def pcol(j, c2):
                rows[i, pl.ds(_CHB + j * 16, 16)] = zeros16
                return c2
            return lax.fori_loop(0, (_CHA - _CHB) // 16, pcol, carry)
        lax.fori_loop(0, _SK, prow, 0)
        plsc.subcore_barrier()

        def body2(i, carry):
            base = (core * _NS + sid) * _EPT2 + i * _SK
            pltpu.sync_copy(ec_h.at[pl.ds(base, _SK)], idxv)
            pltpu.sync_copy(
                ef_h.at[pl.ds(base, _SK), pl.ds(2 * _CHA, _CHB)], rowsc)

            def rp(ii, c2):
                def rpc(jj, c3):
                    rows[ii, pl.ds(jj * 16, 16)] = rowsc[ii, pl.ds(jj * 16, 16)]
                    return c3
                return lax.fori_loop(0, _CHB // 16, rpc, c2)
            lax.fori_loop(0, _SK, rp, 0)
            pltpu.sync_copy(rows, acc.at[idxv], add=True)
            return carry
        lax.fori_loop(0, _SCH2, body2, 0)
        plsc.subcore_barrier()

        def wbody2(i, carry):
            blk = sid * _BPT + i

            @pl.when(blk < _NBLK)
            def _():
                r0 = blk * _ZR
                pltpu.sync_copy(acc.at[pl.ds(r0, _ZR)], wb)

                def cp(ii, c2):
                    def cpc(jj, c3):
                        wbc[ii, pl.ds(jj * 16, 16)] = wb[ii, pl.ds(jj * 16, 16)]
                        return c3
                    return lax.fori_loop(0, _CHB // 16, cpc, c2)
                lax.fori_loop(0, _ZR, cp, 0)

                @pl.when(core == 0)
                def _():
                    pltpu.sync_copy(wbc, t0_h.at[pl.ds(r0, _ZR)])

                @pl.when(core == 1)
                def _():
                    pltpu.sync_copy(wbc, t1_h.at[pl.ds(r0, _ZR)])
            return carry
        lax.fori_loop(0, _BPT, wbody2, 0)

    return k(ef, ec)


def _tail_body(t0_ref, t1_ref, out_ref):
    scale = jnp.float32(1.0 / np.sqrt(_AVG_NEIGH))
    out_ref[...] = (t0_ref[...] + t1_ref[...]) * scale


def _tail_combine(t0, t1):
    blk = pl.BlockSpec((_N_NODES, _CHB), lambda: (0, 0))
    return pl.pallas_call(
        _tail_body,
        in_specs=[blk, blk],
        out_specs=blk,
        out_shape=jax.ShapeDtypeStruct((_N_NODES, _CHB), jnp.float32),
    )(t0, t1)


_EB = 2560


def _tc_body(len_ref, len8_ref, oh_ref, sh_ref, a_ref, b_ref, wtil_ref,
             w1oh_ref, w1b_ref, w1c_ref, w1n_ref, b1_ref,
             w2_ref, b2_ref, w3_ref, b3_ref, wenv_ref, benv_ref,
             repw_ref, repsh_ref,
             lat_ref, ef_ref, cut_ref):
    f32 = jnp.float32
    r = len_ref[...]
    r = jnp.where(jnp.isnan(r), f32(0.0), r)
    x = r * f32(1.0 / _R_MAX)

    x2 = x * x
    x4 = x2 * x2
    x6 = x4 * x2
    x7 = x6 * x
    x8 = x7 * x
    p = _P_CUT
    poly = (f32(1.0)
            - f32((p + 1.0) * (p + 2.0) / 2.0) * x6
            + f32(p * (p + 2.0)) * x7
            - f32(p * (p + 1.0) / 2.0) * x8)
    cut = jnp.where(x < f32(1.0), poly, f32(0.0))
    maskf = (cut > f32(0.0)).astype(f32)

    dot = functools.partial(jnp.dot, preferred_element_type=jnp.float32)

    r8 = len8_ref[...]
    r8 = jnp.where(jnp.isnan(r8), f32(0.0), r8)
    coef = f32(2.0 / _R_MAX) / r8
    smat = jnp.sin(r8 * wtil_ref[...]) * coef
    zbes = dot(smat, w1b_ref[...]).reshape(_EB, _LATENT)

    z = (dot(oh_ref[...], w1oh_ref[...])
         + zbes
         + dot(a_ref[...], w1c_ref[...])
         + dot(b_ref[...], w1n_ref[...])
         + b1_ref[...])
    h = z / (f32(1.0) + jnp.exp(-z))
    z = dot(h, w2_ref[...]) + b2_ref[...]
    h = z / (f32(1.0) + jnp.exp(-z))
    nl = dot(h, w3_ref[...]) + b3_ref[...]
    lat = (cut * maskf) * nl
    w96 = dot(lat, wenv_ref[...]) + benv_ref[...]
    ef = dot(w96, repw_ref[...]) * dot(sh_ref[...], repsh_ref[...]) * maskf

    lat_ref[...] = lat
    ef_ref[...] = ef
    cut_ref[...] = cut


def _tc_main(edge_length, edge_one_hot, edge_sh, A, B, bessel_w,
             W1, b1, W2, b2, W3, b3, Wenv, benv):
    repw = np.zeros((_W_NUMEL, _IRREPS), np.float32)
    repsh = np.zeros((_D_SH, _IRREPS), np.float32)
    dims = (1, 3, 5)
    off_col = 0
    off_sh = 0
    for kk, d in enumerate(dims):
        for m in range(_MUL):
            for j in range(d):
                repw[kk * _MUL + m, off_col + m * d + j] = 1.0
                repsh[off_sh + j, off_col + m * d + j] = 1.0
        off_col += _MUL * d
        off_sh += d

    grid = _N_EDGES // _EB
    eb_spec = lambda d: pl.BlockSpec((_EB, d), lambda i: (i, 0))
    full = lambda s: pl.BlockSpec(s, lambda i: (0, 0))

    call = pl.pallas_call(
        _tc_body,
        grid=(grid,),
        in_specs=[eb_spec(1), pl.BlockSpec((_EB // 16, 128), lambda i: (i, 0)),
                  eb_spec(_EDGE_OH), eb_spec(_D_SH),
                  eb_spec(_CPL), eb_spec(_CPL), full((1, 128)),
                  full((_EDGE_OH, _LATENT)), full((128, 16 * _LATENT)),
                  full((_CPL, _LATENT)), full((_CPL, _LATENT)),
                  full((1, _LATENT)),
                  full((_LATENT, _LATENT)), full((1, _LATENT)),
                  full((_LATENT, _LATENT)), full((1, _LATENT)),
                  full((_LATENT, _W_NUMEL)), full((1, _W_NUMEL)),
                  full((_W_NUMEL, _IRREPS)), full((_D_SH, _IRREPS))],
        out_specs=[eb_spec(_LATENT), eb_spec(_IRREPS), eb_spec(1)],
        out_shape=[jax.ShapeDtypeStruct((_N_EDGES, _LATENT), jnp.float32),
                   jax.ShapeDtypeStruct((_N_EDGES, _IRREPS), jnp.float32),
                   jax.ShapeDtypeStruct((_N_EDGES, 1), jnp.float32)],
    )
    w1b = W1[_EDGE_OH:_EDGE_OH + _N_BASIS]
    w1big = jnp.einsum('mn,jl->mjnl', jnp.eye(16, dtype=jnp.float32),
                       w1b).reshape(128, 16 * _LATENT)
    return call(
      edge_length.reshape(-1, 1),
      jnp.repeat(edge_length, _N_BASIS).reshape(-1, 128),
      edge_one_hot, edge_sh, A, B,
      jnp.tile(bessel_w * (1.0 / _R_MAX), 16).reshape(1, 128),
      W1[:_EDGE_OH], w1big,
      W1[_EDGE_OH + _N_BASIS:_EDGE_OH + _N_BASIS + _CPL],
      W1[_EDGE_OH + _N_BASIS + _CPL:],
      b1.reshape(1, -1), W2, b2.reshape(1, -1), W3, b3.reshape(1, -1),
      Wenv, benv.reshape(1, -1),
      jnp.asarray(repw), jnp.asarray(repsh))


def kernel(edge_index, atom_type, bond_type, edge_sh, edge_length,
           edge_one_hot, msg_cpl, bessel_w, W1, b1, W2, b2, W3, b3,
           Wenv, benv):
    ec = edge_index[0]
    en = edge_index[1]
    A, B = _sc_gather(msg_cpl, ec, en)
    latents, ef, cut = _tc_main(edge_length, edge_one_hot, edge_sh, A, B,
                                bessel_w, W1, b1, W2, b2, W3, b3, Wenv, benv)
    nf_main, t0, t1 = _sc_scatter(ef, ec)
    tail = _tail_combine(t0, t1)
    nf = jnp.concatenate([nf_main, tail], axis=1)
    return latents, nf, ef, cut.reshape(-1)

# --- scband reference (transcript-rebuilt; emitter-appended) ---
"""Pipeline reference for scband-lem-global-24927990186024 (READ-ONLY COPY).

The authoritative reference and input builder live on the scoring server;
editing this copy changes nothing except your own understanding.
"""

import jax, jax.numpy as jnp
import numpy as np

N_NODES = 10000
N_EDGES = 320000
D_SH = 9
MUL = 32
NUM_TYPES = 10
N_BASIS = 8
R_MAX = 5.0
EDGE_OH = 128
CPL = 128
LATENT = 128
P_CUT = 6.0
AVG_NEIGH = 32.0
TWO_BODY_IN = EDGE_OH + N_BASIS + 2 * CPL  # 392
W_NUMEL = 3 * MUL  # per-edge e3nn Linear weights: one path per irrep (0e,1o,2e), mul 1->32
IRREPS_DIM = MUL * (1 + 3 + 5)  # 288


def setup_inputs(seed: int = 0) -> dict:
    key = jax.random.key(seed)
    ks = jax.random.split(key, 16)
    edge_index = jax.random.randint(ks[0], (2, N_EDGES), 0, N_NODES, dtype=jnp.int32)
    atom_type = jax.random.randint(ks[1], (N_NODES,), 0, NUM_TYPES, dtype=jnp.int32)
    bond_type = jax.random.randint(ks[2], (N_EDGES,), 0, NUM_TYPES * NUM_TYPES, dtype=jnp.int32)
    edge_sh = jax.random.normal(ks[3], (N_EDGES, D_SH), dtype=jnp.float32)
    # edge lengths in (0, 1.05*r_max) so a few edges fall outside the cutoff (inactive)
    edge_length = jax.random.uniform(ks[4], (N_EDGES,), minval=0.1, maxval=R_MAX * 1.05, dtype=jnp.float32)
    edge_one_hot = jax.random.uniform(ks[5], (N_EDGES, EDGE_OH), dtype=jnp.float32)
    msg_cpl = jax.random.normal(ks[6], (N_NODES, CPL), dtype=jnp.float32)
    # learned parameters
    bessel_w = (jnp.pi * jnp.arange(1, N_BASIS + 1)).astype(jnp.float32)
    W1 = jax.random.normal(ks[7], (TWO_BODY_IN, LATENT), dtype=jnp.float32) / np.sqrt(TWO_BODY_IN)
    b1 = jnp.zeros((LATENT,), dtype=jnp.float32)
    W2 = jax.random.normal(ks[8], (LATENT, LATENT), dtype=jnp.float32) / np.sqrt(LATENT)
    b2 = jnp.zeros((LATENT,), dtype=jnp.float32)
    W3 = jax.random.normal(ks[9], (LATENT, LATENT), dtype=jnp.float32) / np.sqrt(LATENT)
    b3 = jnp.zeros((LATENT,), dtype=jnp.float32)
    Wenv = jax.random.normal(ks[10], (LATENT, W_NUMEL), dtype=jnp.float32) / np.sqrt(LATENT)
    benv = jnp.zeros((W_NUMEL,), dtype=jnp.float32)
    return {
        "edge_index": edge_index, "atom_type": atom_type, "bond_type": bond_type,
        "edge_sh": edge_sh, "edge_length": edge_length, "edge_one_hot": edge_one_hot,
        "msg_cpl": msg_cpl, "bessel_w": bessel_w,
        "W1": W1, "b1": b1, "W2": W2, "b2": b2, "W3": W3, "b3": b3,
        "Wenv": Wenv, "benv": benv,
    }


def _bessel(r, w):
    # nequip BesselBasis: prefactor * sin(w * r / r_max) / r, prefactor = 2/r_max
    return (2.0 / R_MAX) * jnp.sin(w[None, :] * r[:, None] / R_MAX) / r[:, None]


def _poly_cutoff(r, p=P_CUT):
    x = r / R_MAX
    out = (1.0
           - ((p + 1.0) * (p + 2.0) / 2.0) * x ** p
           + p * (p + 2.0) * x ** (p + 1.0)
           - (p * (p + 1.0) / 2.0) * x ** (p + 2.0))
    return jnp.where(x < 1.0, out, 0.0)


def reference(edge_index, atom_type, bond_type, edge_sh, edge_length, edge_one_hot,
              msg_cpl, bessel_w, W1, b1, W2, b2, W3, b3, Wenv, benv):
    edge_center = edge_index[0]
    edge_neighbor = edge_index[1]
    r = jnp.nan_to_num(edge_length)
    edge_invariants = _bessel(r, bessel_w)
    cutoff_coeffs = _poly_cutoff(r)
    mask = (cutoff_coeffs > 0).astype(edge_sh.dtype)
    # two-body latent MLP (index_copy over active edges == mask-multiply)
    cpl_pair = jnp.concatenate([jnp.take(msg_cpl, edge_center, axis=0),
                                jnp.take(msg_cpl, edge_neighbor, axis=0)], axis=-1)
    feat = jnp.concatenate([edge_one_hot, edge_invariants, cpl_pair], axis=-1)
    h = jax.nn.silu(feat @ W1 + b1)
    h = jax.nn.silu(h @ W2 + b2)
    new_latents = h @ W3 + b3
    latents = (cutoff_coeffs * mask)[:, None] * new_latents
    # per-edge e3nn Linear weights
    weights_e = latents @ Wenv + benv  # [E, 96]
    w = weights_e.reshape(-1, 3, MUL)
    s = edge_sh[:, 0:1]
    p = edge_sh[:, 1:4]
    d = edge_sh[:, 4:9]
    out_s = (w[:, 0, :, None] * s[:, None, :]).reshape(-1, MUL * 1)
    out_p = (w[:, 1, :, None] * p[:, None, :]).reshape(-1, MUL * 3)
    out_d = (w[:, 2, :, None] * d[:, None, :]).reshape(-1, MUL * 5)
    edge_features = jnp.concatenate([out_s, out_p, out_d], axis=-1) * mask[:, None]
    node_features = jax.ops.segment_sum(edge_features, edge_center, num_segments=N_NODES)
    node_features = node_features * (1.0 / jnp.sqrt(jnp.asarray(AVG_NEIGH, dtype=edge_sh.dtype)))
    return latents, node_features, edge_features, cutoff_coeffs

if __name__ == "__main__":
    import jax
    _d = setup_inputs()
    print(jax.jit(kernel)(*tuple(_d.values())))

</pallas_src>

<mosaic_0001>
#map = affine_map<(d0, d1) -> (0, 0)>
#map1 = affine_map<(d0, d1) -> (0)>
module attributes {stable_mosaic.version = 14 : i64} {
  func.func @k(%arg0: i32, %arg1: i32, %arg2: memref<320000x288xf32, #tpu.memory_space<hbm>>, %arg3: memref<320000xi32, #tpu.memory_space<hbm>>, %arg4: memref<10000x256xf32, #tpu.memory_space<hbm>>, %arg5: memref<10000x32xf32, #tpu.memory_space<hbm>>, %arg6: memref<10000x32xf32, #tpu.memory_space<hbm>>, %arg7: memref<10000x128xf32, #tpu.memory_space<vmem_shared>>, %arg8: memref<16x128xf32, #tpu.memory_space<vmem>>, %arg9: memref<80xi32, #tpu.memory_space<vmem>>, %arg10: memref<80x128xf32, #tpu.memory_space<vmem>>, %arg11: memref<80x32xf32, #tpu.memory_space<vmem>>, %arg12: memref<16x128xf32, #tpu.memory_space<vmem>>, %arg13: memref<16x32xf32, #tpu.memory_space<vmem>>, %arg14: memref<64xi32, #tpu.memory_space<vmem>>, %arg15: memref<64xi32, #tpu.memory_space<vmem>>, %arg16: memref<32xi32, #tpu.memory_space<vmem>>, %arg17: memref<64x128xf32, #tpu.memory_space<vmem>>, %arg18: memref<64x128xf32, #tpu.memory_space<vmem>>, %arg19: memref<!tpu.dma_semaphore, #tpu.memory_space<semaphore_mem>>, %arg20: memref<!tpu.dma_semaphore, #tpu.memory_space<semaphore_mem>>, %arg21: memref<!tpu.dma_semaphore, #tpu.memory_space<semaphore_mem>>) attributes {dimension_semantics = [#tpu.dimension_semantics<core_parallel>, #tpu.dimension_semantics<subcore_parallel>], iteration_bounds = array<i64: 2, 16>, scalar_prefetch = 0 : i64, scratch_operands = 15 : i64, tpu.core_type = #tpu.core_type<sc_vector_subcore>, window_params = [{transform_indices = #map}, {transform_indices = #map1}, {transform_indices = #map}, {transform_indices = #map}, {transform_indices = #map}]} {
    %mul3A = arith.constant 128 : i32
    %mul3A_0 = arith.muli %arg0, %mul3A : i32
    %multiple_of3A = tpu.assume_multiple %mul3A_0, 128 : i32
    %broadcast_in_dim3A = arith.constant 0.000000e+00 : f32
    %broadcast_in_dim3A_1 = vector.broadcast %broadcast_in_dim3A : f32 to vector<16xf32>
    %scan3A = arith.constant 0 : i32
    %scan3A_2 = arith.constant 0 : i32
    %scan3A_3 = arith.constant 16 : i32
    %scan3A_4 = arith.addi %scan3A_2, %scan3A_3 : i32
    %scan3A_5 = arith.constant 1 : i32
    scf.for %scan3A_62 = %scan3A_2 to %scan3A_4 step %scan3A_5  : i32 {
      %scan3A_63 = arith.constant 0 : i32
      %scan3A_64 = arith.constant 8 : i32
      %scan3A_65 = arith.addi %scan3A_63, %scan3A_64 : i32
      %scan3A_66 = arith.constant 1 : i32
      scf.for %scan3A_68 = %scan3A_63 to %scan3A_65 step %scan3A_66  : i32 {
        %mul3A_69 = arith.constant 16 : i32
        %mul3A_70 = arith.muli %scan3A_68, %mul3A_69 : i32
        %swap3A = arith.index_cast %scan3A_62 : i32 to index
        %swap3A_71 = arith.index_cast %mul3A_70 : i32 to index
        %swap3A_72 = tpu.vector_load %arg8[%swap3A, %swap3A_71] {strides = array<i32>} : memref<16x128xf32, #tpu.memory_space<vmem>>, vector<1x16xf32>,
        %swap3A_73 = vector.shape_cast %swap3A_72 : vector<1x16xf32> to vector<16xf32>
        %swap3A_74 = vector.shape_cast %broadcast_in_dim3A_1 : vector<16xf32> to vector<1x16xf32>
        tpu.vector_store %arg8[%swap3A, %swap3A_71], %swap3A_74 {strides = array<i32>} : memref<16x128xf32, #tpu.memory_space<vmem>>, vector<1x16xf32>,
      }
      %scan3A_67 = arith.constant 8 : i32
    }
    %scan3A_6 = arith.constant 16 : i32
    %scan3A_7 = arith.constant 0 : i32
    %scan3A_8 = arith.constant 0 : i32
    %scan3A_9 = arith.constant 40 : i32
    %scan3A_10 = arith.addi %scan3A_8, %scan3A_9 : i32
    %scan3A_11 = arith.constant 1 : i32
    scf.for %scan3A_62 = %scan3A_8 to %scan3A_10 step %scan3A_11  : i32 {
      %mul3A_63 = arith.constant 40 : i32
      %mul3A_64 = arith.muli %arg1, %mul3A_63 : i32
      %add3A_65 = arith.addi %mul3A_64, %scan3A_62 : i32
      %lt3A = arith.constant 625 : i32
      %lt3A_66 = arith.cmpi slt, %add3A_65, %lt3A : i32
      %convert_element_type3A = arith.extui %lt3A_66 : i1 to i32
      %cond3A = arith.constant 0 : i32
      %cond3A_67 = arith.cmpi ne, %convert_element_type3A, %cond3A : i32
      scf.if %cond3A_67 {
        %mul3A_68 = arith.constant 16 : i32
        %mul3A_69 = arith.muli %add3A_65, %mul3A_68 : i32
        "tpu.region"() ({
          %run_scoped3A = tpu.sem_alloc : memref<!tpu.dma_semaphore, #tpu.memory_space<semaphore_mem>>
          %dma_start3A = arith.constant 0 : i32
          %dma_start3A_70 = tpu.memref_slice %arg7[%mul3A_69, %dma_start3A] : memref<10000x128xf32, #tpu.memory_space<vmem_shared>> -> memref<16x128xf32, #tpu.memory_space<vmem_shared>>
          %dma_start3A_71 = arith.constant 0 : i32
          %dma_start3A_72 = tpu.memref_slice %arg7[%mul3A_69, %dma_start3A_71] : memref<10000x128xf32, #tpu.memory_space<vmem_shared>> -> memref<16x128xf32, #tpu.memory_space<vmem_shared>>
          tpu.enqueue_dma source(%arg8 : memref<16x128xf32, #tpu.memory_space<vmem>>) target(%dma_start3A_72 : memref<16x128xf32, #tpu.memory_space<vmem_shared>>) target_semaphore(%run_scoped3A : memref<!tpu.dma_semaphore, #tpu.memory_space<semaphore_mem>>)
          %dma_wait3A_73 = arith.constant 0 : i32
          %dma_wait3A_74 = tpu.memref_slice %arg7[%mul3A_69, %dma_wait3A_73] : memref<10000x128xf32, #tpu.memory_space<vmem_shared>> -> memref<16x128xf32, #tpu.memory_space<vmem_shared>>
          %dma_wait3A_75 = arith.constant 0 : i32
          %dma_wait3A_76 = tpu.memref_slice %arg7[%mul3A_69, %dma_wait3A_75] : memref<10000x128xf32, #tpu.memory_space<vmem_shared>> -> memref<16x128xf32, #tpu.memory_space<vmem_shared>>
          tpu.wait_dma2 semaphore(%run_scoped3A : memref<!tpu.dma_semaphore, #tpu.memory_space<semaphore_mem>>) src(%arg8 : memref<16x128xf32, #tpu.memory_space<vmem>>) dst(%dma_wait3A_76 : memref<16x128xf32, #tpu.memory_space<vmem_shared>>)
          tpu.yield
        }) : () -> ()
      } else {
      }
    }
    %scan3A_12 = arith.constant 40 : i32
    %barrier3A = arith.constant 0 : index
    tpu.barrier barrier_id(%barrier3A)
    %mul3A_13 = arith.constant 20000 : i32
    %mul3A_14 = arith.muli %arg1, %mul3A_13 : i32
    %scan3A_15 = arith.constant 0 : i32
    %scan3A_16 = arith.constant 0 : i32
    %scan3A_17 = arith.constant 156 : i32
    %scan3A_18 = arith.addi %scan3A_16, %scan3A_17 : i32
    %scan3A_19 = arith.constant 1 : i32
    scf.for %scan3A_62 = %scan3A_16 to %scan3A_18 step %scan3A_19  : i32 {
      %mul3A_63 = arith.constant 2 : i32
      %mul3A_64 = arith.muli %mul3A_63, %scan3A_62 : i32
      %mul3A_65 = arith.constant 64 : i32
      %mul3A_66 = arith.muli %mul3A_64, %mul3A_65 : i32
      %add3A_67 = arith.addi %mul3A_14, %mul3A_66 : i32
      %add3A_68 = arith.constant 64 : i32
      %add3A_69 = arith.addi %add3A_67, %add3A_68 : i32
      "tpu.region"() ({
        %run_scoped3A = tpu.sem_alloc : memref<!tpu.dma_semaphore, #tpu.memory_space<semaphore_mem>>
        %dma_start3A_85 = tpu.memref_slice %arg3[%add3A_67] : memref<320000xi32, #tpu.memory_space<hbm>> -> memref<64xi32, #tpu.memory_space<hbm>>
        %dma_start3A_86 = tpu.memref_slice %arg3[%add3A_67] : memref<320000xi32, #tpu.memory_space<hbm>> -> memref<64xi32, #tpu.memory_space<hbm>>
        tpu.enqueue_dma source(%dma_start3A_86 : memref<64xi32, #tpu.memory_space<hbm>>) target(%arg14 : memref<64xi32, #tpu.memory_space<vmem>>) target_semaphore(%run_scoped3A : memref<!tpu.dma_semaphore, #tpu.memory_space<semaphore_mem>>)
        %dma_wait3A_87 = tpu.memref_slice %arg3[%add3A_67] : memref<320000xi32, #tpu.memory_space<hbm>> -> memref<64xi32, #tpu.memory_space<hbm>>
        %dma_wait3A_88 = tpu.memref_slice %arg3[%add3A_67] : memref<320000xi32, #tpu.memory_space<hbm>> -> memref<64xi32, #tpu.memory_space<hbm>>
        tpu.wait_dma2 semaphore(%run_scoped3A : memref<!tpu.dma_semaphore, #tpu.memory_space<semaphore_mem>>) src(%dma_wait3A_88 : memref<64xi32, #tpu.memory_space<hbm>>) dst(%arg14 : memref<64xi32, #tpu.memory_space<vmem>>)
        tpu.yield
      }) : () -> ()
      "tpu.region"() ({
        %run_scoped3A = tpu.sem_alloc : memref<!tpu.dma_semaphore, #tpu.memory_space<semaphore_mem>>
        %dma_start3A_85 = tpu.memref_slice %arg3[%add3A_69] : memref<320000xi32, #tpu.memory_space<hbm>> -> memref<64xi32, #tpu.memory_space<hbm>>
        %dma_start3A_86 = tpu.memref_slice %arg3[%add3A_69] : memref<320000xi32, #tpu.memory_space<hbm>> -> memref<64xi32, #tpu.memory_space<hbm>>
        tpu.enqueue_dma source(%dma_start3A_86 : memref<64xi32, #tpu.memory_space<hbm>>) target(%arg15 : memref<64xi32, #tpu.memory_space<vmem>>) target_semaphore(%run_scoped3A : memref<!tpu.dma_semaphore, #tpu.memory_space<semaphore_mem>>)
        %dma_wait3A_87 = tpu.memref_slice %arg3[%add3A_69] : memref<320000xi32, #tpu.memory_space<hbm>> -> memref<64xi32, #tpu.memory_space<hbm>>
        %dma_wait3A_88 = tpu.memref_slice %arg3[%add3A_69] : memref<320000xi32, #tpu.memory_space<hbm>> -> memref<64xi32, #tpu.memory_space<hbm>>
        tpu.wait_dma2 semaphore(%run_scoped3A : memref<!tpu.dma_semaphore, #tpu.memory_space<semaphore_mem>>) src(%dma_wait3A_88 : memref<64xi32, #tpu.memory_space<hbm>>) dst(%arg15 : memref<64xi32, #tpu.memory_space<vmem>>)
        tpu.yield
      }) : () -> ()
      %gt3A = arith.constant 0 : i32
      %gt3A_70 = arith.cmpi sgt, %scan3A_62, %gt3A : i32
      %convert_element_type3A = arith.extui %gt3A_70 : i1 to i32
      %cond3A = arith.constant 0 : i32
      %cond3A_71 = arith.cmpi ne, %convert_element_type3A, %cond3A : i32
      scf.if %cond3A_71 {
        %dma_wait3A_85 = arith.constant 0 : i32
        %dma_wait3A_86 = arith.constant 0 : i32
        %dma_wait3A_87 = tpu.memref_slice %arg7[%dma_wait3A_85, %dma_wait3A_86] : memref<10000x128xf32, #tpu.memory_space<vmem_shared>> -> memref<10000x128xf32, #tpu.memory_space<vmem_shared>>
        tpu.wait_indirect_dma semaphore(%arg21 : memref<!tpu.dma_semaphore, #tpu.memory_space<semaphore_mem>>) src(%arg17 : memref<64x128xf32, #tpu.memory_space<vmem>>) dst(%dma_wait3A_87 : memref<10000x128xf32, #tpu.memory_space<vmem_shared>>)
        %dma_wait3A_88 = arith.constant 0 : i32
        %dma_wait3A_89 = arith.constant 0 : i32
        %dma_wait3A_90 = tpu.memref_slice %arg7[%dma_wait3A_88, %dma_wait3A_89] : memref<10000x128xf32, #tpu.memory_space<vmem_shared>> -> memref<10000x128xf32, #tpu.memory_space<vmem_shared>>
        tpu.wait_indirect_dma semaphore(%arg21 : memref<!tpu.dma_semaphore, #tpu.memory_space<semaphore_mem>>) src(%arg18 : memref<64x128xf32, #tpu.memory_space<vmem>>) dst(%dma_wait3A_90 : memref<10000x128xf32, #tpu.memory_space<vmem_shared>>)
      } else {
      }
      %dma_start3A = tpu.memref_slice %arg2[%add3A_67, %multiple_of3A] : memref<320000x288xf32, #tpu.memory_space<hbm>> -> memref<64x128xf32, #tpu.memory_space<hbm>>
      %dma_start3A_72 = tpu.memref_slice %arg2[%add3A_67, %multiple_of3A] : memref<320000x288xf32, #tpu.memory_space<hbm>> -> memref<64x128xf32, #tpu.memory_space<hbm>>
      tpu.enqueue_dma source(%dma_start3A_72 : memref<64x128xf32, #tpu.memory_space<hbm>>) target(%arg17 : memref<64x128xf32, #tpu.memory_space<vmem>>) target_semaphore(%arg19 : memref<!tpu.dma_semaphore, #tpu.memory_space<semaphore_mem>>)
      %dma_start3A_73 = tpu.memref_slice %arg2[%add3A_69, %multiple_of3A] : memref<320000x288xf32, #tpu.memory_space<hbm>> -> memref<64x128xf32, #tpu.memory_space<hbm>>
      %dma_start3A_74 = tpu.memref_slice %arg2[%add3A_69, %multiple_of3A] : memref<320000x288xf32, #tpu.memory_space<hbm>> -> memref<64x128xf32, #tpu.memory_space<hbm>>
      tpu.enqueue_dma source(%dma_start3A_74 : memref<64x128xf32, #tpu.memory_space<hbm>>) target(%arg18 : memref<64x128xf32, #tpu.memory_space<vmem>>) target_semaphore(%arg20 : memref<!tpu.dma_semaphore, #tpu.memory_space<semaphore_mem>>)
      %dma_wait3A_75 = tpu.memref_slice %arg2[%add3A_67, %multiple_of3A] : memref<320000x288xf32, #tpu.memory_space<hbm>> -> memref<64x128xf32, #tpu.memory_space<hbm>>
      %dma_wait3A_76 = tpu.memref_slice %arg2[%add3A_67, %multiple_of3A] : memref<320000x288xf32, #tpu.memory_space<hbm>> -> memref<64x128xf32, #tpu.memory_space<hbm>>
      tpu.wait_dma2 semaphore(%arg19 : memref<!tpu.dma_semaphore, #tpu.memory_space<semaphore_mem>>) src(%dma_wait3A_76 : memref<64x128xf32, #tpu.memory_space<hbm>>) dst(%arg17 : memref<64x128xf32, #tpu.memory_space<vmem>>)
      %dma_start3A_77 = arith.constant 0 : i32
      %dma_start3A_78 = arith.constant 0 : i32
      %dma_start3A_79 = tpu.memref_slice %arg7[%dma_start3A_77, %dma_start3A_78] : memref<10000x128xf32, #tpu.memory_space<vmem_shared>> -> memref<10000x128xf32, #tpu.memory_space<vmem_shared>>
      tpu.enqueue_indirect_dma source(%arg17 : memref<64x128xf32, #tpu.memory_space<vmem>>) target(%dma_start3A_79 : memref<10000x128xf32, #tpu.memory_space<vmem_shared>>) offsets(%arg14 : memref<64xi32, #tpu.memory_space<vmem>>) semaphore(%arg21 : memref<!tpu.dma_semaphore, #tpu.memory_space<semaphore_mem>>) {add = true}
      %dma_wait3A_80 = tpu.memref_slice %arg2[%add3A_69, %multiple_of3A] : memref<320000x288xf32, #tpu.memory_space<hbm>> -> memref<64x128xf32, #tpu.memory_space<hbm>>
      %dma_wait3A_81 = tpu.memref_slice %arg2[%add3A_69, %multiple_of3A] : memref<320000x288xf32, #tpu.memory_space<hbm>> -> memref<64x128xf32, #tpu.memory_space<hbm>>
      tpu.wait_dma2 semaphore(%arg20 : memref<!tpu.dma_semaphore, #tpu.memory_space<semaphore_mem>>) src(%dma_wait3A_81 : memref<64x128xf32, #tpu.memory_space<hbm>>) dst(%arg18 : memref<64x128xf32, #tpu.memory_space<vmem>>)
      %dma_start3A_82 = arith.constant 0 : i32
      %dma_start3A_83 = arith.constant 0 : i32
      %dma_start3A_84 = tpu.memref_slice %arg7[%dma_start3A_82, %dma_start3A_83] : memref<10000x128xf32, #tpu.memory_space<vmem_shared>> -> memref<10000x128xf32, #tpu.memory_space<vmem_shared>>
      tpu.enqueue_indirect_dma source(%arg18 : memref<64x128xf32, #tpu.memory_space<vmem>>) target(%dma_start3A_84 : memref<10000x128xf32, #tpu.memory_space<vmem_shared>>) offsets(%arg15 : memref<64xi32, #tpu.memory_space<vmem>>) semaphore(%arg21 : memref<!tpu.dma_semaphore, #tpu.memory_space<semaphore_mem>>) {add = true}
    }
    %scan3A_20 = arith.constant 156 : i32
    %dma_wait3A = arith.constant 0 : i32
    %dma_wait3A_21 = arith.constant 0 : i32
    %dma_wait3A_22 = tpu.memref_slice %arg7[%dma_wait3A, %dma_wait3A_21] : memref<10000x128xf32, #tpu.memory_space<vmem_shared>> -> memref<10000x128xf32, #tpu.memory_space<vmem_shared>>
    tpu.wait_indirect_dma semaphore(%arg21 : memref<!tpu.dma_semaphore, #tpu.memory_space<semaphore_mem>>) src(%arg17 : memref<64x128xf32, #tpu.memory_space<vmem>>) dst(%dma_wait3A_22 : memref<10000x128xf32, #tpu.memory_space<vmem_shared>>)
    %dma_wait3A_23 = arith.constant 0 : i32
    %dma_wait3A_24 = arith.constant 0 : i32
    %dma_wait3A_25 = tpu.memref_slice %arg7[%dma_wait3A_23, %dma_wait3A_24] : memref<10000x128xf32, #tpu.memory_space<vmem_shared>> -> memref<10000x128xf32, #tpu.memory_space<vmem_shared>>
    tpu.wait_indirect_dma semaphore(%arg21 : memref<!tpu.dma_semaphore, #tpu.memory_space<semaphore_mem>>) src(%arg18 : memref<64x128xf32, #tpu.memory_space<vmem>>) dst(%dma_wait3A_25 : memref<10000x128xf32, #tpu.memory_space<vmem_shared>>)
    %add3A = arith.constant 19968 : i32
    %add3A_26 = arith.addi %mul3A_14, %add3A : i32
    "tpu.region"() ({
      %run_scoped3A = tpu.sem_alloc : memref<!tpu.dma_semaphore, #tpu.memory_space<semaphore_mem>>
      %dma_start3A = tpu.memref_slice %arg3[%add3A_26] : memref<320000xi32, #tpu.memory_space<hbm>> -> memref<32xi32, #tpu.memory_space<hbm>>
      %dma_start3A_62 = tpu.memref_slice %arg3[%add3A_26] : memref<320000xi32, #tpu.memory_space<hbm>> -> memref<32xi32, #tpu.memory_space<hbm>>
      tpu.enqueue_dma source(%dma_start3A_62 : memref<32xi32, #tpu.memory_space<hbm>>) target(%arg16 : memref<32xi32, #tpu.memory_space<vmem>>) target_semaphore(%run_scoped3A : memref<!tpu.dma_semaphore, #tpu.memory_space<semaphore_mem>>)
      %dma_wait3A_63 = tpu.memref_slice %arg3[%add3A_26] : memref<320000xi32, #tpu.memory_space<hbm>> -> memref<32xi32, #tpu.memory_space<hbm>>
      %dma_wait3A_64 = tpu.memref_slice %arg3[%add3A_26] : memref<320000xi32, #tpu.memory_space<hbm>> -> memref<32xi32, #tpu.memory_space<hbm>>
      tpu.wait_dma2 semaphore(%run_scoped3A : memref<!tpu.dma_semaphore, #tpu.memory_space<semaphore_mem>>) src(%dma_wait3A_64 : memref<32xi32, #tpu.memory_space<hbm>>) dst(%arg16 : memref<32xi32, #tpu.memory_space<vmem>>)
      tpu.yield
    }) : () -> ()
    "tpu.region"() ({
      %run_scoped3A = tpu.sem_alloc : memref<!tpu.dma_semaphore, #tpu.memory_space<semaphore_mem>>
      %dma_start3A = arith.constant 0 : i32
      %dma_start3A_62 = arith.constant 0 : i32
      %dma_start3A_63 = tpu.memref_slice %arg17[%dma_start3A, %dma_start3A_62] : memref<64x128xf32, #tpu.memory_space<vmem>> -> memref<32x128xf32, #tpu.memory_space<vmem>>
      %dma_start3A_64 = tpu.memref_slice %arg2[%add3A_26, %multiple_of3A] : memref<320000x288xf32, #tpu.memory_space<hbm>> -> memref<32x128xf32, #tpu.memory_space<hbm>>
      %dma_start3A_65 = arith.constant 0 : i32
      %dma_start3A_66 = arith.constant 0 : i32
      %dma_start3A_67 = tpu.memref_slice %arg17[%dma_start3A_65, %dma_start3A_66] : memref<64x128xf32, #tpu.memory_space<vmem>> -> memref<32x128xf32, #tpu.memory_space<vmem>>
      %dma_start3A_68 = tpu.memref_slice %arg2[%add3A_26, %multiple_of3A] : memref<320000x288xf32, #tpu.memory_space<hbm>> -> memref<32x128xf32, #tpu.memory_space<hbm>>
      tpu.enqueue_dma source(%dma_start3A_68 : memref<32x128xf32, #tpu.memory_space<hbm>>) target(%dma_start3A_67 : memref<32x128xf32, #tpu.memory_space<vmem>>) target_semaphore(%run_scoped3A : memref<!tpu.dma_semaphore, #tpu.memory_space<semaphore_mem>>)
      %dma_wait3A_69 = arith.constant 0 : i32
      %dma_wait3A_70 = arith.constant 0 : i32
      %dma_wait3A_71 = tpu.memref_slice %arg17[%dma_wait3A_69, %dma_wait3A_70] : memref<64x128xf32, #tpu.memory_space<vmem>> -> memref<32x128xf32, #tpu.memory_space<vmem>>
      %dma_wait3A_72 = tpu.memref_slice %arg2[%add3A_26, %multiple_of3A] : memref<320000x288xf32, #tpu.memory_space<hbm>> -> memref<32x128xf32, #tpu.memory_space<hbm>>
      %dma_wait3A_73 = arith.constant 0 : i32
      %dma_wait3A_74 = arith.constant 0 : i32
      %dma_wait3A_75 = tpu.memref_slice %arg17[%dma_wait3A_73, %dma_wait3A_74] : memref<64x128xf32, #tpu.memory_space<vmem>> -> memref<32x128xf32, #tpu.memory_space<vmem>>
      %dma_wait3A_76 = tpu.memref_slice %arg2[%add3A_26, %multiple_of3A] : memref<320000x288xf32, #tpu.memory_space<hbm>> -> memref<32x128xf32, #tpu.memory_space<hbm>>
      tpu.wait_dma2 semaphore(%run_scoped3A : memref<!tpu.dma_semaphore, #tpu.memory_space<semaphore_mem>>) src(%dma_wait3A_76 : memref<32x128xf32, #tpu.memory_space<hbm>>) dst(%dma_wait3A_75 : memref<32x128xf32, #tpu.memory_space<vmem>>)
      tpu.yield
    }) : () -> ()
    "tpu.region"() ({
      %run_scoped3A = tpu.sem_alloc : memref<!tpu.dma_semaphore, #tpu.memory_space<semaphore_mem>>
      %dma_start3A = arith.constant 0 : i32
      %dma_start3A_62 = arith.constant 0 : i32
      %dma_start3A_63 = tpu.memref_slice %arg17[%dma_start3A, %dma_start3A_62] : memref<64x128xf32, #tpu.memory_space<vmem>> -> memref<32x128xf32, #tpu.memory_space<vmem>>
      %dma_start3A_64 = arith.constant 0 : i32
      %dma_start3A_65 = arith.constant 0 : i32
      %dma_start3A_66 = tpu.memref_slice %arg7[%dma_start3A_64, %dma_start3A_65] : memref<10000x128xf32, #tpu.memory_space<vmem_shared>> -> memref<10000x128xf32, #tpu.memory_space<vmem_shared>>
      tpu.enqueue_indirect_dma source(%dma_start3A_63 : memref<32x128xf32, #tpu.memory_space<vmem>>) target(%dma_start3A_66 : memref<10000x128xf32, #tpu.memory_space<vmem_shared>>) offsets(%arg16 : memref<32xi32, #tpu.memory_space<vmem>>) semaphore(%run_scoped3A : memref<!tpu.dma_semaphore, #tpu.memory_space<semaphore_mem>>) {add = true}
      %dma_wait3A_67 = arith.constant 0 : i32
      %dma_wait3A_68 = arith.constant 0 : i32
      %dma_wait3A_69 = tpu.memref_slice %arg17[%dma_wait3A_67, %dma_wait3A_68] : memref<64x128xf32, #tpu.memory_space<vmem>> -> memref<32x128xf32, #tpu.memory_space<vmem>>
      %dma_wait3A_70 = arith.constant 0 : i32
      %dma_wait3A_71 = arith.constant 0 : i32
      %dma_wait3A_72 = tpu.memref_slice %arg7[%dma_wait3A_70, %dma_wait3A_71] : memref<10000x128xf32, #tpu.memory_space<vmem_shared>> -> memref<10000x128xf32, #tpu.memory_space<vmem_shared>>
      tpu.wait_indirect_dma semaphore(%run_scoped3A : memref<!tpu.dma_semaphore, #tpu.memory_space<semaphore_mem>>) src(%dma_wait3A_69 : memref<32x128xf32, #tpu.memory_space<vmem>>) dst(%dma_wait3A_72 : memref<10000x128xf32, #tpu.memory_space<vmem_shared>>)
      tpu.yield
    }) : () -> ()
    %barrier3A_27 = arith.constant 0 : index
    tpu.barrier barrier_id(%barrier3A_27)
    %scan3A_28 = arith.constant 0 : i32
    %scan3A_29 = arith.constant 0.176776692 : f32
    %scan3A_30 = arith.constant 0 : i32
    %scan3A_31 = arith.constant 40 : i32
    %scan3A_32 = arith.addi %scan3A_30, %scan3A_31 : i32
    %scan3A_33 = arith.constant 1 : i32
    scf.for %scan3A_62 = %scan3A_30 to %scan3A_32 step %scan3A_33  : i32 {
      %mul3A_63 = arith.constant 40 : i32
      %mul3A_64 = arith.muli %arg1, %mul3A_63 : i32
      %add3A_65 = arith.addi %mul3A_64, %scan3A_62 : i32
      %lt3A = arith.constant 625 : i32
      %lt3A_66 = arith.cmpi slt, %add3A_65, %lt3A : i32
      %convert_element_type3A = arith.extui %lt3A_66 : i1 to i32
      %cond3A = arith.constant 0 : i32
      %cond3A_67 = arith.cmpi ne, %convert_element_type3A, %cond3A : i32
      scf.if %cond3A_67 {
        %mul3A_68 = arith.constant 16 : i32
        %mul3A_69 = arith.muli %add3A_65, %mul3A_68 : i32
        "tpu.region"() ({
          %run_scoped3A = tpu.sem_alloc : memref<!tpu.dma_semaphore, #tpu.memory_space<semaphore_mem>>
          %dma_start3A = arith.constant 0 : i32
          %dma_start3A_76 = tpu.memref_slice %arg7[%mul3A_69, %dma_start3A] : memref<10000x128xf32, #tpu.memory_space<vmem_shared>> -> memref<16x128xf32, #tpu.memory_space<vmem_shared>>
          %dma_start3A_77 = arith.constant 0 : i32
          %dma_start3A_78 = tpu.memref_slice %arg7[%mul3A_69, %dma_start3A_77] : memref<10000x128xf32, #tpu.memory_space<vmem_shared>> -> memref<16x128xf32, #tpu.memory_space<vmem_shared>>
          tpu.enqueue_dma source(%dma_start3A_78 : memref<16x128xf32, #tpu.memory_space<vmem_shared>>) target(%arg12 : memref<16x128xf32, #tpu.memory_space<vmem>>) target_semaphore(%run_scoped3A : memref<!tpu.dma_semaphore, #tpu.memory_space<semaphore_mem>>)
          %dma_wait3A_79 = arith.constant 0 : i32
          %dma_wait3A_80 = tpu.memref_slice %arg7[%mul3A_69, %dma_wait3A_79] : memref<10000x128xf32, #tpu.memory_space<vmem_shared>> -> memref<16x128xf32, #tpu.memory_space<vmem_shared>>
          %dma_wait3A_81 = arith.constant 0 : i32
          %dma_wait3A_82 = tpu.memref_slice %arg7[%mul3A_69, %dma_wait3A_81] : memref<10000x128xf32, #tpu.memory_space<vmem_shared>> -> memref<16x128xf32, #tpu.memory_space<vmem_shared>>
          tpu.wait_dma2 semaphore(%run_scoped3A : memref<!tpu.dma_semaphore, #tpu.memory_space<semaphore_mem>>) src(%dma_wait3A_82 : memref<16x128xf32, #tpu.memory_space<vmem_shared>>) dst(%arg12 : memref<16x128xf32, #tpu.memory_space<vmem>>)
          tpu.yield
        }) : () -> ()
        %scan3A_70 = arith.constant 0 : i32
        %scan3A_71 = arith.constant 0 : i32
        %scan3A_72 = arith.constant 16 : i32
        %scan3A_73 = arith.addi %scan3A_71, %scan3A_72 : i32
        %scan3A_74 = arith.constant 1 : i32
        scf.for %scan3A_76 = %scan3A_71 to %scan3A_73 step %scan3A_74  : i32 {
          %scan3A_77 = arith.constant 0 : i32
          %scan3A_78 = arith.constant 8 : i32
          %scan3A_79 = arith.addi %scan3A_77, %scan3A_78 : i32
          %scan3A_80 = arith.constant 1 : i32
          scf.for %scan3A_82 = %scan3A_77 to %scan3A_79 step %scan3A_80  : i32 {
            %mul3A_83 = arith.constant 16 : i32
            %mul3A_84 = arith.muli %scan3A_82, %mul3A_83 : i32
            %get3A = arith.index_cast %scan3A_76 : i32 to index
            %get3A_85 = arith.index_cast %mul3A_84 : i32 to index
            %get3A_86 = tpu.vector_load %arg12[%get3A, %get3A_85] {strides = array<i32>} : memref<16x128xf32, #tpu.memory_space<vmem>>, vector<1x16xf32>,
            %get3A_87 = vector.shape_cast %get3A_86 : vector<1x16xf32> to vector<16xf32>
            %mul3A_88 = vector.broadcast %scan3A_29 : f32 to vector<16xf32>
            %mul3A_89 = arith.mulf %get3A_87, %mul3A_88 : vector<16xf32>
            %mul3A_90 = arith.constant 16 : i32
            %mul3A_91 = arith.muli %scan3A_82, %mul3A_90 : i32
            %swap3A = arith.index_cast %scan3A_76 : i32 to index
            %swap3A_92 = arith.index_cast %mul3A_91 : i32 to index
            %swap3A_93 = tpu.vector_load %arg12[%swap3A, %swap3A_92] {strides = array<i32>} : memref<16x128xf32, #tpu.memory_space<vmem>>, vector<1x16xf32>,
            %swap3A_94 = vector.shape_cast %swap3A_93 : vector<1x16xf32> to vector<16xf32>
            %swap3A_95 = vector.shape_cast %mul3A_89 : vector<16xf32> to vector<1x16xf32>
            tpu.vector_store %arg12[%swap3A, %swap3A_92], %swap3A_95 {strides = array<i32>} : memref<16x128xf32, #tpu.memory_space<vmem>>, vector<1x16xf32>,
          }
          %scan3A_81 = arith.constant 8 : i32
        }
        %scan3A_75 = arith.constant 16 : i32
        "tpu.region"() ({
          %run_scoped3A = tpu.sem_alloc : memref<!tpu.dma_semaphore, #tpu.memory_space<semaphore_mem>>
          %dma_start3A = tpu.memref_slice %arg4[%mul3A_69, %multiple_of3A] : memref<10000x256xf32, #tpu.memory_space<hbm>> -> memref<16x128xf32, #tpu.memory_space<hbm>>
          %dma_start3A_76 = tpu.memref_slice %arg4[%mul3A_69, %multiple_of3A] : memref<10000x256xf32, #tpu.memory_space<hbm>> -> memref<16x128xf32, #tpu.memory_space<hbm>>
          tpu.enqueue_dma source(%arg12 : memref<16x128xf32, #tpu.memory_space<vmem>>) target(%dma_start3A_76 : memref<16x128xf32, #tpu.memory_space<hbm>>) target_semaphore(%run_scoped3A : memref<!tpu.dma_semaphore, #tpu.memory_space<semaphore_mem>>)
          %dma_wait3A_77 = tpu.memref_slice %arg4[%mul3A_69, %multiple_of3A] : memref<10000x256xf32, #tpu.memory_space<hbm>> -> memref<16x128xf32, #tpu.memory_space<hbm>>
          %dma_wait3A_78 = tpu.memref_slice %arg4[%mul3A_69, %multiple_of3A] : memref<10000x256xf32, #tpu.memory_space<hbm>> -> memref<16x128xf32, #tpu.memory_space<hbm>>
          tpu.wait_dma2 semaphore(%run_scoped3A : memref<!tpu.dma_semaphore, #tpu.memory_space<semaphore_mem>>) src(%arg12 : memref<16x128xf32, #tpu.memory_space<vmem>>) dst(%dma_wait3A_78 : memref<16x128xf32, #tpu.memory_space<hbm>>)
          tpu.yield
        }) : () -> ()
      } else {
      }
    }
    %scan3A_34 = arith.constant 40 : i32
    %barrier3A_35 = arith.constant 0 : index
    tpu.barrier barrier_id(%barrier3A_35)
    %scan3A_36 = arith.constant 0 : i32
    %scan3A_37 = arith.constant 0 : i32
    %scan3A_38 = arith.constant 40 : i32
    %scan3A_39 = arith.addi %scan3A_37, %scan3A_38 : i32
    %scan3A_40 = arith.constant 1 : i32
    scf.for %scan3A_62 = %scan3A_37 to %scan3A_39 step %scan3A_40  : i32 {
      %mul3A_63 = arith.constant 40 : i32
      %mul3A_64 = arith.muli %arg1, %mul3A_63 : i32
      %add3A_65 = arith.addi %mul3A_64, %scan3A_62 : i32
      %lt3A = arith.constant 625 : i32
      %lt3A_66 = arith.cmpi slt, %add3A_65, %lt3A : i32
      %convert_element_type3A = arith.extui %lt3A_66 : i1 to i32
      %cond3A = arith.constant 0 : i32
      %cond3A_67 = arith.cmpi ne, %convert_element_type3A, %cond3A : i32
      scf.if %cond3A_67 {
        %mul3A_68 = arith.constant 16 : i32
        %mul3A_69 = arith.muli %add3A_65, %mul3A_68 : i32
        "tpu.region"() ({
          %run_scoped3A = tpu.sem_alloc : memref<!tpu.dma_semaphore, #tpu.memory_space<semaphore_mem>>
          %dma_start3A = arith.constant 0 : i32
          %dma_start3A_70 = tpu.memref_slice %arg7[%mul3A_69, %dma_start3A] : memref<10000x128xf32, #tpu.memory_space<vmem_shared>> -> memref<16x128xf32, #tpu.memory_space<vmem_shared>>
          %dma_start3A_71 = arith.constant 0 : i32
          %dma_start3A_72 = tpu.memref_slice %arg7[%mul3A_69, %dma_start3A_71] : memref<10000x128xf32, #tpu.memory_space<vmem_shared>> -> memref<16x128xf32, #tpu.memory_space<vmem_shared>>
          tpu.enqueue_dma source(%arg8 : memref<16x128xf32, #tpu.memory_space<vmem>>) target(%dma_start3A_72 : memref<16x128xf32, #tpu.memory_space<vmem_shared>>) target_semaphore(%run_scoped3A : memref<!tpu.dma_semaphore, #tpu.memory_space<semaphore_mem>>)
          %dma_wait3A_73 = arith.constant 0 : i32
          %dma_wait3A_74 = tpu.memref_slice %arg7[%mul3A_69, %dma_wait3A_73] : memref<10000x128xf32, #tpu.memory_space<vmem_shared>> -> memref<16x128xf32, #tpu.memory_space<vmem_shared>>
          %dma_wait3A_75 = arith.constant 0 : i32
          %dma_wait3A_76 = tpu.memref_slice %arg7[%mul3A_69, %dma_wait3A_75] : memref<10000x128xf32, #tpu.memory_space<vmem_shared>> -> memref<16x128xf32, #tpu.memory_space<vmem_shared>>
          tpu.wait_dma2 semaphore(%run_scoped3A : memref<!tpu.dma_semaphore, #tpu.memory_space<semaphore_mem>>) src(%arg8 : memref<16x128xf32, #tpu.memory_space<vmem>>) dst(%dma_wait3A_76 : memref<16x128xf32, #tpu.memory_space<vmem_shared>>)
          tpu.yield
        }) : () -> ()
      } else {
      }
    }
    %scan3A_41 = arith.constant 40 : i32
    %scan3A_42 = arith.constant 0 : i32
    %scan3A_43 = arith.constant 0 : i32
    %scan3A_44 = arith.constant 80 : i32
    %scan3A_45 = arith.addi %scan3A_43, %scan3A_44 : i32
    %scan3A_46 = arith.constant 1 : i32
    scf.for %scan3A_62 = %scan3A_43 to %scan3A_45 step %scan3A_46  : i32 {
      %scan3A_63 = arith.constant 0 : i32
      %scan3A_64 = arith.constant 6 : i32
      %scan3A_65 = arith.addi %scan3A_63, %scan3A_64 : i32
      %scan3A_66 = arith.constant 1 : i32
      scf.for %scan3A_68 = %scan3A_63 to %scan3A_65 step %scan3A_66  : i32 {
        %mul3A_69 = arith.constant 16 : i32
        %mul3A_70 = arith.muli %scan3A_68, %mul3A_69 : i32
        %add3A_71 = arith.constant 32 : i32
        %add3A_72 = arith.addi %add3A_71, %mul3A_70 : i32
        %swap3A = arith.index_cast %scan3A_62 : i32 to index
        %swap3A_73 = arith.index_cast %add3A_72 : i32 to index
        %swap3A_74 = tpu.vector_load %arg10[%swap3A, %swap3A_73] {strides = array<i32>} : memref<80x128xf32, #tpu.memory_space<vmem>>, vector<1x16xf32>,
        %swap3A_75 = vector.shape_cast %swap3A_74 : vector<1x16xf32> to vector<16xf32>
        %swap3A_76 = vector.shape_cast %broadcast_in_dim3A_1 : vector<16xf32> to vector<1x16xf32>
        tpu.vector_store %arg10[%swap3A, %swap3A_73], %swap3A_76 {strides = array<i32>} : memref<80x128xf32, #tpu.memory_space<vmem>>, vector<1x16xf32>,
      }
      %scan3A_67 = arith.constant 6 : i32
    }
    %scan3A_47 = arith.constant 80 : i32
    %barrier3A_48 = arith.constant 0 : index
    tpu.barrier barrier_id(%barrier3A_48)
    %scan3A_49 = arith.constant 0 : i32
    %scan3A_50 = arith.constant 0 : i32
    %scan3A_51 = arith.constant 125 : i32
    %scan3A_52 = arith.addi %scan3A_50, %scan3A_51 : i32
    %scan3A_53 = arith.constant 1 : i32
    scf.for %scan3A_62 = %scan3A_50 to %scan3A_52 step %scan3A_53  : i32 {
      %mul3A_63 = arith.constant 16 : i32
      %mul3A_64 = arith.muli %arg0, %mul3A_63 : i32
      %add3A_65 = arith.addi %mul3A_64, %arg1 : i32
      %mul3A_66 = arith.constant 10000 : i32
      %mul3A_67 = arith.muli %add3A_65, %mul3A_66 : i32
      %mul3A_68 = arith.constant 80 : i32
      %mul3A_69 = arith.muli %scan3A_62, %mul3A_68 : i32
      %add3A_70 = arith.addi %mul3A_67, %mul3A_69 : i32
      "tpu.region"() ({
        %run_scoped3A = tpu.sem_alloc : memref<!tpu.dma_semaphore, #tpu.memory_space<semaphore_mem>>
        %dma_start3A = tpu.memref_slice %arg3[%add3A_70] : memref<320000xi32, #tpu.memory_space<hbm>> -> memref<80xi32, #tpu.memory_space<hbm>>
        %dma_start3A_77 = tpu.memref_slice %arg3[%add3A_70] : memref<320000xi32, #tpu.memory_space<hbm>> -> memref<80xi32, #tpu.memory_space<hbm>>
        tpu.enqueue_dma source(%dma_start3A_77 : memref<80xi32, #tpu.memory_space<hbm>>) target(%arg9 : memref<80xi32, #tpu.memory_space<vmem>>) target_semaphore(%run_scoped3A : memref<!tpu.dma_semaphore, #tpu.memory_space<semaphore_mem>>)
        %dma_wait3A_78 = tpu.memref_slice %arg3[%add3A_70] : memref<320000xi32, #tpu.memory_space<hbm>> -> memref<80xi32, #tpu.memory_space<hbm>>
        %dma_wait3A_79 = tpu.memref_slice %arg3[%add3A_70] : memref<320000xi32, #tpu.memory_space<hbm>> -> memref<80xi32, #tpu.memory_space<hbm>>
        tpu.wait_dma2 semaphore(%run_scoped3A : memref<!tpu.dma_semaphore, #tpu.memory_space<semaphore_mem>>) src(%dma_wait3A_79 : memref<80xi32, #tpu.memory_space<hbm>>) dst(%arg9 : memref<80xi32, #tpu.memory_space<vmem>>)
        tpu.yield
      }) : () -> ()
      "tpu.region"() ({
        %run_scoped3A = tpu.sem_alloc : memref<!tpu.dma_semaphore, #tpu.memory_space<semaphore_mem>>
        %dma_start3A = arith.constant 256 : i32
        %dma_start3A_77 = tpu.memref_slice %arg2[%add3A_70, %dma_start3A] : memref<320000x288xf32, #tpu.memory_space<hbm>> -> memref<80x32xf32, #tpu.memory_space<hbm>>
        %dma_start3A_78 = arith.constant 256 : i32
        %dma_start3A_79 = tpu.memref_slice %arg2[%add3A_70, %dma_start3A_78] : memref<320000x288xf32, #tpu.memory_space<hbm>> -> memref<80x32xf32, #tpu.memory_space<hbm>>
        tpu.enqueue_dma source(%dma_start3A_79 : memref<80x32xf32, #tpu.memory_space<hbm>>) target(%arg11 : memref<80x32xf32, #tpu.memory_space<vmem>>) target_semaphore(%run_scoped3A : memref<!tpu.dma_semaphore, #tpu.memory_space<semaphore_mem>>)
        %dma_wait3A_80 = arith.constant 256 : i32
        %dma_wait3A_81 = tpu.memref_slice %arg2[%add3A_70, %dma_wait3A_80] : memref<320000x288xf32, #tpu.memory_space<hbm>> -> memref<80x32xf32, #tpu.memory_space<hbm>>
        %dma_wait3A_82 = arith.constant 256 : i32
        %dma_wait3A_83 = tpu.memref_slice %arg2[%add3A_70, %dma_wait3A_82] : memref<320000x288xf32, #tpu.memory_space<hbm>> -> memref<80x32xf32, #tpu.memory_space<hbm>>
        tpu.wait_dma2 semaphore(%run_scoped3A : memref<!tpu.dma_semaphore, #tpu.memory_space<semaphore_mem>>) src(%dma_wait3A_83 : memref<80x32xf32, #tpu.memory_space<hbm>>) dst(%arg11 : memref<80x32xf32, #tpu.memory_space<vmem>>)
        tpu.yield
      }) : () -> ()
      %scan3A_71 = arith.constant 0 : i32
      %scan3A_72 = arith.constant 0 : i32
      %scan3A_73 = arith.constant 80 : i32
      %scan3A_74 = arith.addi %scan3A_72, %scan3A_73 : i32
      %scan3A_75 = arith.constant 1 : i32
      scf.for %scan3A_77 = %scan3A_72 to %scan3A_74 step %scan3A_75  : i32 {
        %scan3A_78 = arith.constant 0 : i32
        %scan3A_79 = arith.constant 2 : i32
        %scan3A_80 = arith.addi %scan3A_78, %scan3A_79 : i32
        %scan3A_81 = arith.constant 1 : i32
        scf.for %scan3A_83 = %scan3A_78 to %scan3A_80 step %scan3A_81  : i32 {
          %mul3A_84 = arith.constant 16 : i32
          %mul3A_85 = arith.muli %scan3A_83, %mul3A_84 : i32
          %get3A = arith.index_cast %scan3A_77 : i32 to index
          %get3A_86 = arith.index_cast %mul3A_85 : i32 to index
          %get3A_87 = tpu.vector_load %arg11[%get3A, %get3A_86] {strides = array<i32>} : memref<80x32xf32, #tpu.memory_space<vmem>>, vector<1x16xf32>,
          %get3A_88 = vector.shape_cast %get3A_87 : vector<1x16xf32> to vector<16xf32>
          %mul3A_89 = arith.constant 16 : i32
          %mul3A_90 = arith.muli %scan3A_83, %mul3A_89 : i32
          %swap3A = arith.index_cast %scan3A_77 : i32 to index
          %swap3A_91 = arith.index_cast %mul3A_90 : i32 to index
          %swap3A_92 = tpu.vector_load %arg10[%swap3A, %swap3A_91] {strides = array<i32>} : memref<80x128xf32, #tpu.memory_space<vmem>>, vector<1x16xf32>,
          %swap3A_93 = vector.shape_cast %swap3A_92 : vector<1x16xf32> to vector<16xf32>
          %swap3A_94 = vector.shape_cast %get3A_88 : vector<16xf32> to vector<1x16xf32>
          tpu.vector_store %arg10[%swap3A, %swap3A_91], %swap3A_94 {strides = array<i32>} : memref<80x128xf32, #tpu.memory_space<vmem>>, vector<1x16xf32>,
        }
        %scan3A_82 = arith.constant 2 : i32
      }
      %scan3A_76 = arith.constant 80 : i32
      "tpu.region"() ({
        %run_scoped3A = tpu.sem_alloc : memref<!tpu.dma_semaphore, #tpu.memory_space<semaphore_mem>>
        %dma_start3A = arith.constant 0 : i32
        %dma_start3A_77 = arith.constant 0 : i32
        %dma_start3A_78 = tpu.memref_slice %arg7[%dma_start3A, %dma_start3A_77] : memref<10000x128xf32, #tpu.memory_space<vmem_shared>> -> memref<10000x128xf32, #tpu.memory_space<vmem_shared>>
        tpu.enqueue_indirect_dma source(%arg10 : memref<80x128xf32, #tpu.memory_space<vmem>>) target(%dma_start3A_78 : memref<10000x128xf32, #tpu.memory_space<vmem_shared>>) offsets(%arg9 : memref<80xi32, #tpu.memory_space<vmem>>) semaphore(%run_scoped3A : memref<!tpu.dma_semaphore, #tpu.memory_space<semaphore_mem>>) {add = true}
        %dma_wait3A_79 = arith.constant 0 : i32
        %dma_wait3A_80 = arith.constant 0 : i32
        %dma_wait3A_81 = tpu.memref_slice %arg7[%dma_wait3A_79, %dma_wait3A_80] : memref<10000x128xf32, #tpu.memory_space<vmem_shared>> -> memref<10000x128xf32, #tpu.memory_space<vmem_shared>>
        tpu.wait_indirect_dma semaphore(%run_scoped3A : memref<!tpu.dma_semaphore, #tpu.memory_space<semaphore_mem>>) src(%arg10 : memref<80x128xf32, #tpu.memory_space<vmem>>) dst(%dma_wait3A_81 : memref<10000x128xf32, #tpu.memory_space<vmem_shared>>)
        tpu.yield
      }) : () -> ()
    }
    %scan3A_54 = arith.constant 125 : i32
    %barrier3A_55 = arith.constant 0 : index
    tpu.barrier barrier_id(%barrier3A_55)
    %scan3A_56 = arith.constant 0 : i32
    %scan3A_57 = arith.constant 0 : i32
    %scan3A_58 = arith.constant 40 : i32
    %scan3A_59 = arith.addi %scan3A_57, %scan3A_58 : i32
    %scan3A_60 = arith.constant 1 : i32
    scf.for %scan3A_62 = %scan3A_57 to %scan3A_59 step %scan3A_60  : i32 {
      %mul3A_63 = arith.constant 40 : i32
      %mul3A_64 = arith.muli %arg1, %mul3A_63 : i32
      %add3A_65 = arith.addi %mul3A_64, %scan3A_62 : i32
      %lt3A = arith.constant 625 : i32
      %lt3A_66 = arith.cmpi slt, %add3A_65, %lt3A : i32
      %convert_element_type3A = arith.extui %lt3A_66 : i1 to i32
      %cond3A = arith.constant 0 : i32
      %cond3A_67 = arith.cmpi ne, %convert_element_type3A, %cond3A : i32
      scf.if %cond3A_67 {
        %mul3A_68 = arith.constant 16 : i32
        %mul3A_69 = arith.muli %add3A_65, %mul3A_68 : i32
        "tpu.region"() ({
          %run_scoped3A = tpu.sem_alloc : memref<!tpu.dma_semaphore, #tpu.memory_space<semaphore_mem>>
          %dma_start3A = arith.constant 0 : i32
          %dma_start3A_85 = tpu.memref_slice %arg7[%mul3A_69, %dma_start3A] : memref<10000x128xf32, #tpu.memory_space<vmem_shared>> -> memref<16x128xf32, #tpu.memory_space<vmem_shared>>
          %dma_start3A_86 = arith.constant 0 : i32
          %dma_start3A_87 = tpu.memref_slice %arg7[%mul3A_69, %dma_start3A_86] : memref<10000x128xf32, #tpu.memory_space<vmem_shared>> -> memref<16x128xf32, #tpu.memory_space<vmem_shared>>
          tpu.enqueue_dma source(%dma_start3A_87 : memref<16x128xf32, #tpu.memory_space<vmem_shared>>) target(%arg12 : memref<16x128xf32, #tpu.memory_space<vmem>>) target_semaphore(%run_scoped3A : memref<!tpu.dma_semaphore, #tpu.memory_space<semaphore_mem>>)
          %dma_wait3A_88 = arith.constant 0 : i32
          %dma_wait3A_89 = tpu.memref_slice %arg7[%mul3A_69, %dma_wait3A_88] : memref<10000x128xf32, #tpu.memory_space<vmem_shared>> -> memref<16x128xf32, #tpu.memory_space<vmem_shared>>
          %dma_wait3A_90 = arith.constant 0 : i32
          %dma_wait3A_91 = tpu.memref_slice %arg7[%mul3A_69, %dma_wait3A_90] : memref<10000x128xf32, #tpu.memory_space<vmem_shared>> -> memref<16x128xf32, #tpu.memory_space<vmem_shared>>
          tpu.wait_dma2 semaphore(%run_scoped3A : memref<!tpu.dma_semaphore, #tpu.memory_space<semaphore_mem>>) src(%dma_wait3A_91 : memref<16x128xf32, #tpu.memory_space<vmem_shared>>) dst(%arg12 : memref<16x128xf32, #tpu.memory_space<vmem>>)
          tpu.yield
        }) : () -> ()
        %scan3A_70 = arith.constant 0 : i32
        %scan3A_71 = arith.constant 0 : i32
        %scan3A_72 = arith.constant 16 : i32
        %scan3A_73 = arith.addi %scan3A_71, %scan3A_72 : i32
        %scan3A_74 = arith.constant 1 : i32
        scf.for %scan3A_85 = %scan3A_71 to %scan3A_73 step %scan3A_74  : i32 {
          %scan3A_86 = arith.constant 0 : i32
          %scan3A_87 = arith.constant 2 : i32
          %scan3A_88 = arith.addi %scan3A_86, %scan3A_87 : i32
          %scan3A_89 = arith.constant 1 : i32
          scf.for %scan3A_91 = %scan3A_86 to %scan3A_88 step %scan3A_89  : i32 {
            %mul3A_92 = arith.constant 16 : i32
            %mul3A_93 = arith.muli %scan3A_91, %mul3A_92 : i32
            %get3A = arith.index_cast %scan3A_85 : i32 to index
            %get3A_94 = arith.index_cast %mul3A_93 : i32 to index
            %get3A_95 = tpu.vector_load %arg12[%get3A, %get3A_94] {strides = array<i32>} : memref<16x128xf32, #tpu.memory_space<vmem>>, vector<1x16xf32>,
            %get3A_96 = vector.shape_cast %get3A_95 : vector<1x16xf32> to vector<16xf32>
            %mul3A_97 = arith.constant 16 : i32
            %mul3A_98 = arith.muli %scan3A_91, %mul3A_97 : i32
            %swap3A = arith.index_cast %scan3A_85 : i32 to index
            %swap3A_99 = arith.index_cast %mul3A_98 : i32 to index
            %swap3A_100 = tpu.vector_load %arg13[%swap3A, %swap3A_99] {strides = array<i32>} : memref<16x32xf32, #tpu.memory_space<vmem>>, vector<1x16xf32>,
            %swap3A_101 = vector.shape_cast %swap3A_100 : vector<1x16xf32> to vector<16xf32>
            %swap3A_102 = vector.shape_cast %get3A_96 : vector<16xf32> to vector<1x16xf32>
            tpu.vector_store %arg13[%swap3A, %swap3A_99], %swap3A_102 {strides = array<i32>} : memref<16x32xf32, #tpu.memory_space<vmem>>, vector<1x16xf32>,
          }
          %scan3A_90 = arith.constant 2 : i32
        }
        %scan3A_75 = arith.constant 16 : i32
        %eq3A = arith.constant 0 : i32
        %eq3A_76 = arith.cmpi eq, %arg0, %eq3A : i32
        %convert_element_type3A_77 = arith.extui %eq3A_76 : i1 to i32
        %cond3A_78 = arith.constant 0 : i32
        %cond3A_79 = arith.cmpi ne, %convert_element_type3A_77, %cond3A_78 : i32
        scf.if %cond3A_79 {
          "tpu.region"() ({
            %run_scoped3A = tpu.sem_alloc : memref<!tpu.dma_semaphore, #tpu.memory_space<semaphore_mem>>
            %dma_start3A = arith.constant 0 : i32
            %dma_start3A_85 = tpu.memref_slice %arg5[%mul3A_69, %dma_start3A] : memref<10000x32xf32, #tpu.memory_space<hbm>> -> memref<16x32xf32, #tpu.memory_space<hbm>>
            %dma_start3A_86 = arith.constant 0 : i32
            %dma_start3A_87 = tpu.memref_slice %arg5[%mul3A_69, %dma_start3A_86] : memref<10000x32xf32, #tpu.memory_space<hbm>> -> memref<16x32xf32, #tpu.memory_space<hbm>>
            tpu.enqueue_dma source(%arg13 : memref<16x32xf32, #tpu.memory_space<vmem>>) target(%dma_start3A_87 : memref<16x32xf32, #tpu.memory_space<hbm>>) target_semaphore(%run_scoped3A : memref<!tpu.dma_semaphore, #tpu.memory_space<semaphore_mem>>)
            %dma_wait3A_88 = arith.constant 0 : i32
            %dma_wait3A_89 = tpu.memref_slice %arg5[%mul3A_69, %dma_wait3A_88] : memref<10000x32xf32, #tpu.memory_space<hbm>> -> memref<16x32xf32, #tpu.memory_space<hbm>>
            %dma_wait3A_90 = arith.constant 0 : i32
            %dma_wait3A_91 = tpu.memref_slice %arg5[%mul3A_69, %dma_wait3A_90] : memref<10000x32xf32, #tpu.memory_space<hbm>> -> memref<16x32xf32, #tpu.memory_space<hbm>>
            tpu.wait_dma2 semaphore(%run_scoped3A : memref<!tpu.dma_semaphore, #tpu.memory_space<semaphore_mem>>) src(%arg13 : memref<16x32xf32, #tpu.memory_space<vmem>>) dst(%dma_wait3A_91 : memref<16x32xf32, #tpu.memory_space<hbm>>)
            tpu.yield
          }) : () -> ()
        } else {
        }
        %eq3A_80 = arith.constant 1 : i32
        %eq3A_81 = arith.cmpi eq, %arg0, %eq3A_80 : i32
        %convert_element_type3A_82 = arith.extui %eq3A_81 : i1 to i32
        %cond3A_83 = arith.constant 0 : i32
        %cond3A_84 = arith.cmpi ne, %convert_element_type3A_82, %cond3A_83 : i32
        scf.if %cond3A_84 {
          "tpu.region"() ({
            %run_scoped3A = tpu.sem_alloc : memref<!tpu.dma_semaphore, #tpu.memory_space<semaphore_mem>>
            %dma_start3A = arith.constant 0 : i32
            %dma_start3A_85 = tpu.memref_slice %arg6[%mul3A_69, %dma_start3A] : memref<10000x32xf32, #tpu.memory_space<hbm>> -> memref<16x32xf32, #tpu.memory_space<hbm>>
            %dma_start3A_86 = arith.constant 0 : i32
            %dma_start3A_87 = tpu.memref_slice %arg6[%mul3A_69, %dma_start3A_86] : memref<10000x32xf32, #tpu.memory_space<hbm>> -> memref<16x32xf32, #tpu.memory_space<hbm>>
            tpu.enqueue_dma source(%arg13 : memref<16x32xf32, #tpu.memory_space<vmem>>) target(%dma_start3A_87 : memref<16x32xf32, #tpu.memory_space<hbm>>) target_semaphore(%run_scoped3A : memref<!tpu.dma_semaphore, #tpu.memory_space<semaphore_mem>>)
            %dma_wait3A_88 = arith.constant 0 : i32
            %dma_wait3A_89 = tpu.memref_slice %arg6[%mul3A_69, %dma_wait3A_88] : memref<10000x32xf32, #tpu.memory_space<hbm>> -> memref<16x32xf32, #tpu.memory_space<hbm>>
            %dma_wait3A_90 = arith.constant 0 : i32
            %dma_wait3A_91 = tpu.memref_slice %arg6[%mul3A_69, %dma_wait3A_90] : memref<10000x32xf32, #tpu.memory_space<hbm>> -> memref<16x32xf32, #tpu.memory_space<hbm>>
            tpu.wait_dma2 semaphore(%run_scoped3A : memref<!tpu.dma_semaphore, #tpu.memory_space<semaphore_mem>>) src(%arg13 : memref<16x32xf32, #tpu.memory_space<vmem>>) dst(%dma_wait3A_91 : memref<16x32xf32, #tpu.memory_space<hbm>>)
            tpu.yield
          }) : () -> ()
        } else {
        }
      } else {
      }
    }
    %scan3A_61 = arith.constant 40 : i32
    return
  }
}

#map = affine_map<(d0, d1) -> (0, 0)>
#map1 = affine_map<(d0, d1) -> (0)>
module attributes {stable_mosaic.version = 14 : i64} {
  func.func @k(%arg0: i32, %arg1: i32, %arg2: memref<10000x128xf32, #tpu.memory_space<hbm>>, %arg3: memref<320000xi32, #tpu.memory_space<hbm>>, %arg4: memref<320000xi32, #tpu.memory_space<hbm>>, %arg5: memref<320000x128xf32, #tpu.memory_space<hbm>>, %arg6: memref<320000x128xf32, #tpu.memory_space<hbm>>, %arg7: memref<128xi32, #tpu.memory_space<vmem>>, %arg8: memref<128xi32, #tpu.memory_space<vmem>>, %arg9: memref<128xi32, #tpu.memory_space<vmem>>, %arg10: memref<128xi32, #tpu.memory_space<vmem>>, %arg11: memref<128x128xf32, #tpu.memory_space<vmem>>, %arg12: memref<128x128xf32, #tpu.memory_space<vmem>>, %arg13: memref<128x128xf32, #tpu.memory_space<vmem>>, %arg14: memref<128x128xf32, #tpu.memory_space<vmem>>, %arg15: memref<!tpu.dma_semaphore, #tpu.memory_space<semaphore_mem>>, %arg16: memref<!tpu.dma_semaphore, #tpu.memory_space<semaphore_mem>>, %arg17: memref<!tpu.dma_semaphore, #tpu.memory_space<semaphore_mem>>) attributes {dimension_semantics = [#tpu.dimension_semantics<core_parallel>, #tpu.dimension_semantics<subcore_parallel>], iteration_bounds = array<i64: 2, 16>, scalar_prefetch = 0 : i64, scratch_operands = 11 : i64, tpu.core_type = #tpu.core_type<sc_vector_subcore>, window_params = [{transform_indices = #map}, {transform_indices = #map1}, {transform_indices = #map1}, {transform_indices = #map}, {transform_indices = #map}]} {
    %mul3A = arith.constant 2 : i32
    %mul3A_0 = arith.muli %arg1, %mul3A : i32
    %add3A = arith.addi %mul3A_0, %arg0 : i32
    %mul3A_1 = arith.constant 10000 : i32
    %mul3A_2 = arith.muli %add3A, %mul3A_1 : i32
    %scan3A = arith.constant 0 : i32
    %scan3A_3 = arith.constant 0 : i32
    %scan3A_4 = arith.constant 39 : i32
    %scan3A_5 = arith.addi %scan3A_3, %scan3A_4 : i32
    %scan3A_6 = arith.constant 1 : i32
    scf.for %scan3A_56 = %scan3A_3 to %scan3A_5 step %scan3A_6  : i32 {
      %mul3A_57 = arith.constant 2 : i32
      %mul3A_58 = arith.muli %mul3A_57, %scan3A_56 : i32
      %mul3A_59 = arith.constant 128 : i32
      %mul3A_60 = arith.muli %mul3A_58, %mul3A_59 : i32
      %add3A_61 = arith.addi %mul3A_2, %mul3A_60 : i32
      %add3A_62 = arith.constant 128 : i32
      %add3A_63 = arith.addi %add3A_61, %add3A_62 : i32
      "tpu.region"() ({
        %run_scoped3A = tpu.sem_alloc : memref<!tpu.dma_semaphore, #tpu.memory_space<semaphore_mem>>
        %dma_start3A_106 = tpu.memref_slice %arg3[%add3A_61] : memref<320000xi32, #tpu.memory_space<hbm>> -> memref<128xi32, #tpu.memory_space<hbm>>
        %dma_start3A_107 = tpu.memref_slice %arg3[%add3A_61] : memref<320000xi32, #tpu.memory_space<hbm>> -> memref<128xi32, #tpu.memory_space<hbm>>
        tpu.enqueue_dma source(%dma_start3A_107 : memref<128xi32, #tpu.memory_space<hbm>>) target(%arg7 : memref<128xi32, #tpu.memory_space<vmem>>) target_semaphore(%run_scoped3A : memref<!tpu.dma_semaphore, #tpu.memory_space<semaphore_mem>>)
        %dma_wait3A_108 = tpu.memref_slice %arg3[%add3A_61] : memref<320000xi32, #tpu.memory_space<hbm>> -> memref<128xi32, #tpu.memory_space<hbm>>
        %dma_wait3A_109 = tpu.memref_slice %arg3[%add3A_61] : memref<320000xi32, #tpu.memory_space<hbm>> -> memref<128xi32, #tpu.memory_space<hbm>>
        tpu.wait_dma2 semaphore(%run_scoped3A : memref<!tpu.dma_semaphore, #tpu.memory_space<semaphore_mem>>) src(%dma_wait3A_109 : memref<128xi32, #tpu.memory_space<hbm>>) dst(%arg7 : memref<128xi32, #tpu.memory_space<vmem>>)
        tpu.yield
      }) : () -> ()
      "tpu.region"() ({
        %run_scoped3A = tpu.sem_alloc : memref<!tpu.dma_semaphore, #tpu.memory_space<semaphore_mem>>
        %dma_start3A_106 = tpu.memref_slice %arg4[%add3A_61] : memref<320000xi32, #tpu.memory_space<hbm>> -> memref<128xi32, #tpu.memory_space<hbm>>
        %dma_start3A_107 = tpu.memref_slice %arg4[%add3A_61] : memref<320000xi32, #tpu.memory_space<hbm>> -> memref<128xi32, #tpu.memory_space<hbm>>
        tpu.enqueue_dma source(%dma_start3A_107 : memref<128xi32, #tpu.memory_space<hbm>>) target(%arg8 : memref<128xi32, #tpu.memory_space<vmem>>) target_semaphore(%run_scoped3A : memref<!tpu.dma_semaphore, #tpu.memory_space<semaphore_mem>>)
        %dma_wait3A_108 = tpu.memref_slice %arg4[%add3A_61] : memref<320000xi32, #tpu.memory_space<hbm>> -> memref<128xi32, #tpu.memory_space<hbm>>
        %dma_wait3A_109 = tpu.memref_slice %arg4[%add3A_61] : memref<320000xi32, #tpu.memory_space<hbm>> -> memref<128xi32, #tpu.memory_space<hbm>>
        tpu.wait_dma2 semaphore(%run_scoped3A : memref<!tpu.dma_semaphore, #tpu.memory_space<semaphore_mem>>) src(%dma_wait3A_109 : memref<128xi32, #tpu.memory_space<hbm>>) dst(%arg8 : memref<128xi32, #tpu.memory_space<vmem>>)
        tpu.yield
      }) : () -> ()
      "tpu.region"() ({
        %run_scoped3A = tpu.sem_alloc : memref<!tpu.dma_semaphore, #tpu.memory_space<semaphore_mem>>
        %dma_start3A_106 = tpu.memref_slice %arg3[%add3A_63] : memref<320000xi32, #tpu.memory_space<hbm>> -> memref<128xi32, #tpu.memory_space<hbm>>
        %dma_start3A_107 = tpu.memref_slice %arg3[%add3A_63] : memref<320000xi32, #tpu.memory_space<hbm>> -> memref<128xi32, #tpu.memory_space<hbm>>
        tpu.enqueue_dma source(%dma_start3A_107 : memref<128xi32, #tpu.memory_space<hbm>>) target(%arg9 : memref<128xi32, #tpu.memory_space<vmem>>) target_semaphore(%run_scoped3A : memref<!tpu.dma_semaphore, #tpu.memory_space<semaphore_mem>>)
        %dma_wait3A_108 = tpu.memref_slice %arg3[%add3A_63] : memref<320000xi32, #tpu.memory_space<hbm>> -> memref<128xi32, #tpu.memory_space<hbm>>
        %dma_wait3A_109 = tpu.memref_slice %arg3[%add3A_63] : memref<320000xi32, #tpu.memory_space<hbm>> -> memref<128xi32, #tpu.memory_space<hbm>>
        tpu.wait_dma2 semaphore(%run_scoped3A : memref<!tpu.dma_semaphore, #tpu.memory_space<semaphore_mem>>) src(%dma_wait3A_109 : memref<128xi32, #tpu.memory_space<hbm>>) dst(%arg9 : memref<128xi32, #tpu.memory_space<vmem>>)
        tpu.yield
      }) : () -> ()
      "tpu.region"() ({
        %run_scoped3A = tpu.sem_alloc : memref<!tpu.dma_semaphore, #tpu.memory_space<semaphore_mem>>
        %dma_start3A_106 = tpu.memref_slice %arg4[%add3A_63] : memref<320000xi32, #tpu.memory_space<hbm>> -> memref<128xi32, #tpu.memory_space<hbm>>
        %dma_start3A_107 = tpu.memref_slice %arg4[%add3A_63] : memref<320000xi32, #tpu.memory_space<hbm>> -> memref<128xi32, #tpu.memory_space<hbm>>
        tpu.enqueue_dma source(%dma_start3A_107 : memref<128xi32, #tpu.memory_space<hbm>>) target(%arg10 : memref<128xi32, #tpu.memory_space<vmem>>) target_semaphore(%run_scoped3A : memref<!tpu.dma_semaphore, #tpu.memory_space<semaphore_mem>>)
        %dma_wait3A_108 = tpu.memref_slice %arg4[%add3A_63] : memref<320000xi32, #tpu.memory_space<hbm>> -> memref<128xi32, #tpu.memory_space<hbm>>
        %dma_wait3A_109 = tpu.memref_slice %arg4[%add3A_63] : memref<320000xi32, #tpu.memory_space<hbm>> -> memref<128xi32, #tpu.memory_space<hbm>>
        tpu.wait_dma2 semaphore(%run_scoped3A : memref<!tpu.dma_semaphore, #tpu.memory_space<semaphore_mem>>) src(%dma_wait3A_109 : memref<128xi32, #tpu.memory_space<hbm>>) dst(%arg10 : memref<128xi32, #tpu.memory_space<vmem>>)
        tpu.yield
      }) : () -> ()
      %gt3A = arith.constant 0 : i32
      %gt3A_64 = arith.cmpi sgt, %scan3A_56, %gt3A : i32
      %convert_element_type3A = arith.extui %gt3A_64 : i1 to i32
      %cond3A = arith.constant 0 : i32
      %cond3A_65 = arith.cmpi ne, %convert_element_type3A, %cond3A : i32
      scf.if %cond3A_65 {
        %dma_wait3A_106 = arith.constant 0 : i32
        %dma_wait3A_107 = tpu.memref_slice %arg5[%add3A_61, %dma_wait3A_106] : memref<320000x128xf32, #tpu.memory_space<hbm>> -> memref<128x128xf32, #tpu.memory_space<hbm>>
        %dma_wait3A_108 = arith.constant 0 : i32
        %dma_wait3A_109 = tpu.memref_slice %arg5[%add3A_61, %dma_wait3A_108] : memref<320000x128xf32, #tpu.memory_space<hbm>> -> memref<128x128xf32, #tpu.memory_space<hbm>>
        tpu.wait_dma2 semaphore(%arg17 : memref<!tpu.dma_semaphore, #tpu.memory_space<semaphore_mem>>) src(%arg11 : memref<128x128xf32, #tpu.memory_space<vmem>>) dst(%dma_wait3A_109 : memref<128x128xf32, #tpu.memory_space<hbm>>)
        %dma_wait3A_110 = arith.constant 0 : i32
        %dma_wait3A_111 = tpu.memref_slice %arg6[%add3A_61, %dma_wait3A_110] : memref<320000x128xf32, #tpu.memory_space<hbm>> -> memref<128x128xf32, #tpu.memory_space<hbm>>
        %dma_wait3A_112 = arith.constant 0 : i32
        %dma_wait3A_113 = tpu.memref_slice %arg6[%add3A_61, %dma_wait3A_112] : memref<320000x128xf32, #tpu.memory_space<hbm>> -> memref<128x128xf32, #tpu.memory_space<hbm>>
        tpu.wait_dma2 semaphore(%arg17 : memref<!tpu.dma_semaphore, #tpu.memory_space<semaphore_mem>>) src(%arg12 : memref<128x128xf32, #tpu.memory_space<vmem>>) dst(%dma_wait3A_113 : memref<128x128xf32, #tpu.memory_space<hbm>>)
        %dma_wait3A_114 = arith.constant 0 : i32
        %dma_wait3A_115 = tpu.memref_slice %arg5[%add3A_63, %dma_wait3A_114] : memref<320000x128xf32, #tpu.memory_space<hbm>> -> memref<128x128xf32, #tpu.memory_space<hbm>>
        %dma_wait3A_116 = arith.constant 0 : i32
        %dma_wait3A_117 = tpu.memref_slice %arg5[%add3A_63, %dma_wait3A_116] : memref<320000x128xf32, #tpu.memory_space<hbm>> -> memref<128x128xf32, #tpu.memory_space<hbm>>
        tpu.wait_dma2 semaphore(%arg17 : memref<!tpu.dma_semaphore, #tpu.memory_space<semaphore_mem>>) src(%arg13 : memref<128x128xf32, #tpu.memory_space<vmem>>) dst(%dma_wait3A_117 : memref<128x128xf32, #tpu.memory_space<hbm>>)
        %dma_wait3A_118 = arith.constant 0 : i32
        %dma_wait3A_119 = tpu.memref_slice %arg6[%add3A_63, %dma_wait3A_118] : memref<320000x128xf32, #tpu.memory_space<hbm>> -> memref<128x128xf32, #tpu.memory_space<hbm>>
        %dma_wait3A_120 = arith.constant 0 : i32
        %dma_wait3A_121 = tpu.memref_slice %arg6[%add3A_63, %dma_wait3A_120] : memref<320000x128xf32, #tpu.memory_space<hbm>> -> memref<128x128xf32, #tpu.memory_space<hbm>>
        tpu.wait_dma2 semaphore(%arg17 : memref<!tpu.dma_semaphore, #tpu.memory_space<semaphore_mem>>) src(%arg14 : memref<128x128xf32, #tpu.memory_space<vmem>>) dst(%dma_wait3A_121 : memref<128x128xf32, #tpu.memory_space<hbm>>)
      } else {
      }
      %dma_start3A_66 = arith.constant 0 : i32
      %dma_start3A_67 = arith.constant 0 : i32
      %dma_start3A_68 = tpu.memref_slice %arg2[%dma_start3A_66, %dma_start3A_67] : memref<10000x128xf32, #tpu.memory_space<hbm>> -> memref<10000x128xf32, #tpu.memory_space<hbm>>
      tpu.enqueue_indirect_dma source(%dma_start3A_68 : memref<10000x128xf32, #tpu.memory_space<hbm>>) target(%arg11 : memref<128x128xf32, #tpu.memory_space<vmem>>) offsets(%arg7 : memref<128xi32, #tpu.memory_space<vmem>>) semaphore(%arg15 : memref<!tpu.dma_semaphore, #tpu.memory_space<semaphore_mem>>)
      %dma_start3A_69 = arith.constant 0 : i32
      %dma_start3A_70 = arith.constant 0 : i32
      %dma_start3A_71 = tpu.memref_slice %arg2[%dma_start3A_69, %dma_start3A_70] : memref<10000x128xf32, #tpu.memory_space<hbm>> -> memref<10000x128xf32, #tpu.memory_space<hbm>>
      tpu.enqueue_indirect_dma source(%dma_start3A_71 : memref<10000x128xf32, #tpu.memory_space<hbm>>) target(%arg12 : memref<128x128xf32, #tpu.memory_space<vmem>>) offsets(%arg8 : memref<128xi32, #tpu.memory_space<vmem>>) semaphore(%arg15 : memref<!tpu.dma_semaphore, #tpu.memory_space<semaphore_mem>>)
      %dma_start3A_72 = arith.constant 0 : i32
      %dma_start3A_73 = arith.constant 0 : i32
      %dma_start3A_74 = tpu.memref_slice %arg2[%dma_start3A_72, %dma_start3A_73] : memref<10000x128xf32, #tpu.memory_space<hbm>> -> memref<10000x128xf32, #tpu.memory_space<hbm>>
      tpu.enqueue_indirect_dma source(%dma_start3A_74 : memref<10000x128xf32, #tpu.memory_space<hbm>>) target(%arg13 : memref<128x128xf32, #tpu.memory_space<vmem>>) offsets(%arg9 : memref<128xi32, #tpu.memory_space<vmem>>) semaphore(%arg16 : memref<!tpu.dma_semaphore, #tpu.memory_space<semaphore_mem>>)
      %dma_start3A_75 = arith.constant 0 : i32
      %dma_start3A_76 = arith.constant 0 : i32
      %dma_start3A_77 = tpu.memref_slice %arg2[%dma_start3A_75, %dma_start3A_76] : memref<10000x128xf32, #tpu.memory_space<hbm>> -> memref<10000x128xf32, #tpu.memory_space<hbm>>
      tpu.enqueue_indirect_dma source(%dma_start3A_77 : memref<10000x128xf32, #tpu.memory_space<hbm>>) target(%arg14 : memref<128x128xf32, #tpu.memory_space<vmem>>) offsets(%arg10 : memref<128xi32, #tpu.memory_space<vmem>>) semaphore(%arg16 : memref<!tpu.dma_semaphore, #tpu.memory_space<semaphore_mem>>)
      %dma_wait3A_78 = arith.constant 0 : i32
      %dma_wait3A_79 = arith.constant 0 : i32
      %dma_wait3A_80 = tpu.memref_slice %arg2[%dma_wait3A_78, %dma_wait3A_79] : memref<10000x128xf32, #tpu.memory_space<hbm>> -> memref<10000x128xf32, #tpu.memory_space<hbm>>
      tpu.wait_indirect_dma semaphore(%arg15 : memref<!tpu.dma_semaphore, #tpu.memory_space<semaphore_mem>>) src(%dma_wait3A_80 : memref<10000x128xf32, #tpu.memory_space<hbm>>) dst(%arg11 : memref<128x128xf32, #tpu.memory_space<vmem>>)
      %dma_wait3A_81 = arith.constant 0 : i32
      %dma_wait3A_82 = arith.constant 0 : i32
      %dma_wait3A_83 = tpu.memref_slice %arg2[%dma_wait3A_81, %dma_wait3A_82] : memref<10000x128xf32, #tpu.memory_space<hbm>> -> memref<10000x128xf32, #tpu.memory_space<hbm>>
      tpu.wait_indirect_dma semaphore(%arg15 : memref<!tpu.dma_semaphore, #tpu.memory_space<semaphore_mem>>) src(%dma_wait3A_83 : memref<10000x128xf32, #tpu.memory_space<hbm>>) dst(%arg12 : memref<128x128xf32, #tpu.memory_space<vmem>>)
      %dma_start3A_84 = arith.constant 0 : i32
      %dma_start3A_85 = tpu.memref_slice %arg5[%add3A_61, %dma_start3A_84] : memref<320000x128xf32, #tpu.memory_space<hbm>> -> memref<128x128xf32, #tpu.memory_space<hbm>>
      %dma_start3A_86 = arith.constant 0 : i32
      %dma_start3A_87 = tpu.memref_slice %arg5[%add3A_61, %dma_start3A_86] : memref<320000x128xf32, #tpu.memory_space<hbm>> -> memref<128x128xf32, #tpu.memory_space<hbm>>
      tpu.enqueue_dma source(%arg11 : memref<128x128xf32, #tpu.memory_space<vmem>>) target(%dma_start3A_87 : memref<128x128xf32, #tpu.memory_space<hbm>>) target_semaphore(%arg17 : memref<!tpu.dma_semaphore, #tpu.memory_space<semaphore_mem>>)
      %dma_start3A_88 = arith.constant 0 : i32
      %dma_start3A_89 = tpu.memref_slice %arg6[%add3A_61, %dma_start3A_88] : memref<320000x128xf32, #tpu.memory_space<hbm>> -> memref<128x128xf32, #tpu.memory_space<hbm>>
      %dma_start3A_90 = arith.constant 0 : i32
      %dma_start3A_91 = tpu.memref_slice %arg6[%add3A_61, %dma_start3A_90] : memref<320000x128xf32, #tpu.memory_space<hbm>> -> memref<128x128xf32, #tpu.memory_space<hbm>>
      tpu.enqueue_dma source(%arg12 : memref<128x128xf32, #tpu.memory_space<vmem>>) target(%dma_start3A_91 : memref<128x128xf32, #tpu.memory_space<hbm>>) target_semaphore(%arg17 : memref<!tpu.dma_semaphore, #tpu.memory_space<semaphore_mem>>)
      %dma_wait3A_92 = arith.constant 0 : i32
      %dma_wait3A_93 = arith.constant 0 : i32
      %dma_wait3A_94 = tpu.memref_slice %arg2[%dma_wait3A_92, %dma_wait3A_93] : memref<10000x128xf32, #tpu.memory_space<hbm>> -> memref<10000x128xf32, #tpu.memory_space<hbm>>
      tpu.wait_indirect_dma semaphore(%arg16 : memref<!tpu.dma_semaphore, #tpu.memory_space<semaphore_mem>>) src(%dma_wait3A_94 : memref<10000x128xf32, #tpu.memory_space<hbm>>) dst(%arg13 : memref<128x128xf32, #tpu.memory_space<vmem>>)
      %dma_wait3A_95 = arith.constant 0 : i32
      %dma_wait3A_96 = arith.constant 0 : i32
      %dma_wait3A_97 = tpu.memref_slice %arg2[%dma_wait3A_95, %dma_wait3A_96] : memref<10000x128xf32, #tpu.memory_space<hbm>> -> memref<10000x128xf32, #tpu.memory_space<hbm>>
      tpu.wait_indirect_dma semaphore(%arg16 : memref<!tpu.dma_semaphore, #tpu.memory_space<semaphore_mem>>) src(%dma_wait3A_97 : memref<10000x128xf32, #tpu.memory_space<hbm>>) dst(%arg14 : memref<128x128xf32, #tpu.memory_space<vmem>>)
      %dma_start3A_98 = arith.constant 0 : i32
      %dma_start3A_99 = tpu.memref_slice %arg5[%add3A_63, %dma_start3A_98] : memref<320000x128xf32, #tpu.memory_space<hbm>> -> memref<128x128xf32, #tpu.memory_space<hbm>>
      %dma_start3A_100 = arith.constant 0 : i32
      %dma_start3A_101 = tpu.memref_slice %arg5[%add3A_63, %dma_start3A_100] : memref<320000x128xf32, #tpu.memory_space<hbm>> -> memref<128x128xf32, #tpu.memory_space<hbm>>
      tpu.enqueue_dma source(%arg13 : memref<128x128xf32, #tpu.memory_space<vmem>>) target(%dma_start3A_101 : memref<128x128xf32, #tpu.memory_space<hbm>>) target_semaphore(%arg17 : memref<!tpu.dma_semaphore, #tpu.memory_space<semaphore_mem>>)
      %dma_start3A_102 = arith.constant 0 : i32
      %dma_start3A_103 = tpu.memref_slice %arg6[%add3A_63, %dma_start3A_102] : memref<320000x128xf32, #tpu.memory_space<hbm>> -> memref<128x128xf32, #tpu.memory_space<hbm>>
      %dma_start3A_104 = arith.constant 0 : i32
      %dma_start3A_105 = tpu.memref_slice %arg6[%add3A_63, %dma_start3A_104] : memref<320000x128xf32, #tpu.memory_space<hbm>> -> memref<128x128xf32, #tpu.memory_space<hbm>>
      tpu.enqueue_dma source(%arg14 : memref<128x128xf32, #tpu.memory_space<vmem>>) target(%dma_start3A_105 : memref<128x128xf32, #tpu.memory_space<hbm>>) target_semaphore(%arg17 : memref<!tpu.dma_semaphore, #tpu.memory_space<semaphore_mem>>)
    }
    %scan3A_7 = arith.constant 39 : i32
    %add3A_8 = arith.constant 9984 : i32
    %add3A_9 = arith.addi %mul3A_2, %add3A_8 : i32
    %dma_wait3A = arith.constant 0 : i32
    %dma_wait3A_10 = tpu.memref_slice %arg5[%mul3A_2, %dma_wait3A] : memref<320000x128xf32, #tpu.memory_space<hbm>> -> memref<128x128xf32, #tpu.memory_space<hbm>>
    %dma_wait3A_11 = arith.constant 0 : i32
    %dma_wait3A_12 = tpu.memref_slice %arg5[%mul3A_2, %dma_wait3A_11] : memref<320000x128xf32, #tpu.memory_space<hbm>> -> memref<128x128xf32, #tpu.memory_space<hbm>>
    tpu.wait_dma2 semaphore(%arg17 : memref<!tpu.dma_semaphore, #tpu.memory_space<semaphore_mem>>) src(%arg11 : memref<128x128xf32, #tpu.memory_space<vmem>>) dst(%dma_wait3A_12 : memref<128x128xf32, #tpu.memory_space<hbm>>)
    %dma_wait3A_13 = arith.constant 0 : i32
    %dma_wait3A_14 = tpu.memref_slice %arg6[%mul3A_2, %dma_wait3A_13] : memref<320000x128xf32, #tpu.memory_space<hbm>> -> memref<128x128xf32, #tpu.memory_space<hbm>>
    %dma_wait3A_15 = arith.constant 0 : i32
    %dma_wait3A_16 = tpu.memref_slice %arg6[%mul3A_2, %dma_wait3A_15] : memref<320000x128xf32, #tpu.memory_space<hbm>> -> memref<128x128xf32, #tpu.memory_space<hbm>>
    tpu.wait_dma2 semaphore(%arg17 : memref<!tpu.dma_semaphore, #tpu.memory_space<semaphore_mem>>) src(%arg12 : memref<128x128xf32, #tpu.memory_space<vmem>>) dst(%dma_wait3A_16 : memref<128x128xf32, #tpu.memory_space<hbm>>)
    %dma_wait3A_17 = arith.constant 0 : i32
    %dma_wait3A_18 = tpu.memref_slice %arg5[%mul3A_2, %dma_wait3A_17] : memref<320000x128xf32, #tpu.memory_space<hbm>> -> memref<128x128xf32, #tpu.memory_space<hbm>>
    %dma_wait3A_19 = arith.constant 0 : i32
    %dma_wait3A_20 = tpu.memref_slice %arg5[%mul3A_2, %dma_wait3A_19] : memref<320000x128xf32, #tpu.memory_space<hbm>> -> memref<128x128xf32, #tpu.memory_space<hbm>>
    tpu.wait_dma2 semaphore(%arg17 : memref<!tpu.dma_semaphore, #tpu.memory_space<semaphore_mem>>) src(%arg13 : memref<128x128xf32, #tpu.memory_space<vmem>>) dst(%dma_wait3A_20 : memref<128x128xf32, #tpu.memory_space<hbm>>)
    %dma_wait3A_21 = arith.constant 0 : i32
    %dma_wait3A_22 = tpu.memref_slice %arg6[%mul3A_2, %dma_wait3A_21] : memref<320000x128xf32, #tpu.memory_space<hbm>> -> memref<128x128xf32, #tpu.memory_space<hbm>>
    %dma_wait3A_23 = arith.constant 0 : i32
    %dma_wait3A_24 = tpu.memref_slice %arg6[%mul3A_2, %dma_wait3A_23] : memref<320000x128xf32, #tpu.memory_space<hbm>> -> memref<128x128xf32, #tpu.memory_space<hbm>>
    tpu.wait_dma2 semaphore(%arg17 : memref<!tpu.dma_semaphore, #tpu.memory_space<semaphore_mem>>) src(%arg14 : memref<128x128xf32, #tpu.memory_space<vmem>>) dst(%dma_wait3A_24 : memref<128x128xf32, #tpu.memory_space<hbm>>)
    "tpu.region"() ({
      %run_scoped3A = tpu.sem_alloc : memref<!tpu.dma_semaphore, #tpu.memory_space<semaphore_mem>>
      %dma_start3A_56 = arith.constant 0 : i32
      %dma_start3A_57 = tpu.memref_slice %arg7[%dma_start3A_56] : memref<128xi32, #tpu.memory_space<vmem>> -> memref<16xi32, #tpu.memory_space<vmem>>
      %dma_start3A_58 = tpu.memref_slice %arg3[%add3A_9] : memref<320000xi32, #tpu.memory_space<hbm>> -> memref<16xi32, #tpu.memory_space<hbm>>
      %dma_start3A_59 = arith.constant 0 : i32
      %dma_start3A_60 = tpu.memref_slice %arg7[%dma_start3A_59] : memref<128xi32, #tpu.memory_space<vmem>> -> memref<16xi32, #tpu.memory_space<vmem>>
      %dma_start3A_61 = tpu.memref_slice %arg3[%add3A_9] : memref<320000xi32, #tpu.memory_space<hbm>> -> memref<16xi32, #tpu.memory_space<hbm>>
      tpu.enqueue_dma source(%dma_start3A_61 : memref<16xi32, #tpu.memory_space<hbm>>) target(%dma_start3A_60 : memref<16xi32, #tpu.memory_space<vmem>>) target_semaphore(%run_scoped3A : memref<!tpu.dma_semaphore, #tpu.memory_space<semaphore_mem>>)
      %dma_wait3A_62 = arith.constant 0 : i32
      %dma_wait3A_63 = tpu.memref_slice %arg7[%dma_wait3A_62] : memref<128xi32, #tpu.memory_space<vmem>> -> memref<16xi32, #tpu.memory_space<vmem>>
      %dma_wait3A_64 = tpu.memref_slice %arg3[%add3A_9] : memref<320000xi32, #tpu.memory_space<hbm>> -> memref<16xi32, #tpu.memory_space<hbm>>
      %dma_wait3A_65 = arith.constant 0 : i32
      %dma_wait3A_66 = tpu.memref_slice %arg7[%dma_wait3A_65] : memref<128xi32, #tpu.memory_space<vmem>> -> memref<16xi32, #tpu.memory_space<vmem>>
      %dma_wait3A_67 = tpu.memref_slice %arg3[%add3A_9] : memref<320000xi32, #tpu.memory_space<hbm>> -> memref<16xi32, #tpu.memory_space<hbm>>
      tpu.wait_dma2 semaphore(%run_scoped3A : memref<!tpu.dma_semaphore, #tpu.memory_space<semaphore_mem>>) src(%dma_wait3A_67 : memref<16xi32, #tpu.memory_space<hbm>>) dst(%dma_wait3A_66 : memref<16xi32, #tpu.memory_space<vmem>>)
      tpu.yield
    }) : () -> ()
    "tpu.region"() ({
      %run_scoped3A = tpu.sem_alloc : memref<!tpu.dma_semaphore, #tpu.memory_space<semaphore_mem>>
      %dma_start3A_56 = arith.constant 0 : i32
      %dma_start3A_57 = tpu.memref_slice %arg8[%dma_start3A_56] : memref<128xi32, #tpu.memory_space<vmem>> -> memref<16xi32, #tpu.memory_space<vmem>>
      %dma_start3A_58 = tpu.memref_slice %arg4[%add3A_9] : memref<320000xi32, #tpu.memory_space<hbm>> -> memref<16xi32, #tpu.memory_space<hbm>>
      %dma_start3A_59 = arith.constant 0 : i32
      %dma_start3A_60 = tpu.memref_slice %arg8[%dma_start3A_59] : memref<128xi32, #tpu.memory_space<vmem>> -> memref<16xi32, #tpu.memory_space<vmem>>
      %dma_start3A_61 = tpu.memref_slice %arg4[%add3A_9] : memref<320000xi32, #tpu.memory_space<hbm>> -> memref<16xi32, #tpu.memory_space<hbm>>
      tpu.enqueue_dma source(%dma_start3A_61 : memref<16xi32, #tpu.memory_space<hbm>>) target(%dma_start3A_60 : memref<16xi32, #tpu.memory_space<vmem>>) target_semaphore(%run_scoped3A : memref<!tpu.dma_semaphore, #tpu.memory_space<semaphore_mem>>)
      %dma_wait3A_62 = arith.constant 0 : i32
      %dma_wait3A_63 = tpu.memref_slice %arg8[%dma_wait3A_62] : memref<128xi32, #tpu.memory_space<vmem>> -> memref<16xi32, #tpu.memory_space<vmem>>
      %dma_wait3A_64 = tpu.memref_slice %arg4[%add3A_9] : memref<320000xi32, #tpu.memory_space<hbm>> -> memref<16xi32, #tpu.memory_space<hbm>>
      %dma_wait3A_65 = arith.constant 0 : i32
      %dma_wait3A_66 = tpu.memref_slice %arg8[%dma_wait3A_65] : memref<128xi32, #tpu.memory_space<vmem>> -> memref<16xi32, #tpu.memory_space<vmem>>
      %dma_wait3A_67 = tpu.memref_slice %arg4[%add3A_9] : memref<320000xi32, #tpu.memory_space<hbm>> -> memref<16xi32, #tpu.memory_space<hbm>>
      tpu.wait_dma2 semaphore(%run_scoped3A : memref<!tpu.dma_semaphore, #tpu.memory_space<semaphore_mem>>) src(%dma_wait3A_67 : memref<16xi32, #tpu.memory_space<hbm>>) dst(%dma_wait3A_66 : memref<16xi32, #tpu.memory_space<vmem>>)
      tpu.yield
    }) : () -> ()
    %dma_start3A = arith.constant 0 : i32
    %dma_start3A_25 = arith.constant 0 : i32
    %dma_start3A_26 = tpu.memref_slice %arg11[%dma_start3A, %dma_start3A_25] : memref<128x128xf32, #tpu.memory_space<vmem>> -> memref<16x128xf32, #tpu.memory_space<vmem>>
    %dma_start3A_27 = arith.constant 0 : i32
    %dma_start3A_28 = tpu.memref_slice %arg7[%dma_start3A_27] : memref<128xi32, #tpu.memory_space<vmem>> -> memref<16xi32, #tpu.memory_space<vmem>>
    %dma_start3A_29 = arith.constant 0 : i32
    %dma_start3A_30 = arith.constant 0 : i32
    %dma_start3A_31 = tpu.memref_slice %arg2[%dma_start3A_29, %dma_start3A_30] : memref<10000x128xf32, #tpu.memory_space<hbm>> -> memref<10000x128xf32, #tpu.memory_space<hbm>>
    tpu.enqueue_indirect_dma source(%dma_start3A_31 : memref<10000x128xf32, #tpu.memory_space<hbm>>) target(%dma_start3A_26 : memref<16x128xf32, #tpu.memory_space<vmem>>) offsets(%dma_start3A_28 : memref<16xi32, #tpu.memory_space<vmem>>) semaphore(%arg15 : memref<!tpu.dma_semaphore, #tpu.memory_space<semaphore_mem>>)
    %dma_start3A_32 = arith.constant 0 : i32
    %dma_start3A_33 = arith.constant 0 : i32
    %dma_start3A_34 = tpu.memref_slice %arg12[%dma_start3A_32, %dma_start3A_33] : memref<128x128xf32, #tpu.memory_space<vmem>> -> memref<16x128xf32, #tpu.memory_space<vmem>>
    %dma_start3A_35 = arith.constant 0 : i32
    %dma_start3A_36 = tpu.memref_slice %arg8[%dma_start3A_35] : memref<128xi32, #tpu.memory_space<vmem>> -> memref<16xi32, #tpu.memory_space<vmem>>
    %dma_start3A_37 = arith.constant 0 : i32
    %dma_start3A_38 = arith.constant 0 : i32
    %dma_start3A_39 = tpu.memref_slice %arg2[%dma_start3A_37, %dma_start3A_38] : memref<10000x128xf32, #tpu.memory_space<hbm>> -> memref<10000x128xf32, #tpu.memory_space<hbm>>
    tpu.enqueue_indirect_dma source(%dma_start3A_39 : memref<10000x128xf32, #tpu.memory_space<hbm>>) target(%dma_start3A_34 : memref<16x128xf32, #tpu.memory_space<vmem>>) offsets(%dma_start3A_36 : memref<16xi32, #tpu.memory_space<vmem>>) semaphore(%arg16 : memref<!tpu.dma_semaphore, #tpu.memory_space<semaphore_mem>>)
    %dma_wait3A_40 = arith.constant 0 : i32
    %dma_wait3A_41 = arith.constant 0 : i32
    %dma_wait3A_42 = tpu.memref_slice %arg11[%dma_wait3A_40, %dma_wait3A_41] : memref<128x128xf32, #tpu.memory_space<vmem>> -> memref<16x128xf32, #tpu.memory_space<vmem>>
    %dma_wait3A_43 = arith.constant 0 : i32
    %dma_wait3A_44 = tpu.memref_slice %arg7[%dma_wait3A_43] : memref<128xi32, #tpu.memory_space<vmem>> -> memref<16xi32, #tpu.memory_space<vmem>>
    %dma_wait3A_45 = arith.constant 0 : i32
    %dma_wait3A_46 = arith.constant 0 : i32
    %dma_wait3A_47 = tpu.memref_slice %arg2[%dma_wait3A_45, %dma_wait3A_46] : memref<10000x128xf32, #tpu.memory_space<hbm>> -> memref<10000x128xf32, #tpu.memory_space<hbm>>
    tpu.wait_indirect_dma semaphore(%arg15 : memref<!tpu.dma_semaphore, #tpu.memory_space<semaphore_mem>>) src(%dma_wait3A_47 : memref<10000x128xf32, #tpu.memory_space<hbm>>) dst(%dma_wait3A_42 : memref<16x128xf32, #tpu.memory_space<vmem>>)
    %dma_wait3A_48 = arith.constant 0 : i32
    %dma_wait3A_49 = arith.constant 0 : i32
    %dma_wait3A_50 = tpu.memref_slice %arg12[%dma_wait3A_48, %dma_wait3A_49] : memref<128x128xf32, #tpu.memory_space<vmem>> -> memref<16x128xf32, #tpu.memory_space<vmem>>
    %dma_wait3A_51 = arith.constant 0 : i32
    %dma_wait3A_52 = tpu.memref_slice %arg8[%dma_wait3A_51] : memref<128xi32, #tpu.memory_space<vmem>> -> memref<16xi32, #tpu.memory_space<vmem>>
    %dma_wait3A_53 = arith.constant 0 : i32
    %dma_wait3A_54 = arith.constant 0 : i32
    %dma_wait3A_55 = tpu.memref_slice %arg2[%dma_wait3A_53, %dma_wait3A_54] : memref<10000x128xf32, #tpu.memory_space<hbm>> -> memref<10000x128xf32, #tpu.memory_space<hbm>>
    tpu.wait_indirect_dma semaphore(%arg16 : memref<!tpu.dma_semaphore, #tpu.memory_space<semaphore_mem>>) src(%dma_wait3A_55 : memref<10000x128xf32, #tpu.memory_space<hbm>>) dst(%dma_wait3A_50 : memref<16x128xf32, #tpu.memory_space<vmem>>)
    "tpu.region"() ({
      %run_scoped3A = tpu.sem_alloc : memref<!tpu.dma_semaphore, #tpu.memory_space<semaphore_mem>>
      %dma_start3A_56 = arith.constant 0 : i32
      %dma_start3A_57 = arith.constant 0 : i32
      %dma_start3A_58 = tpu.memref_slice %arg11[%dma_start3A_56, %dma_start3A_57] : memref<128x128xf32, #tpu.memory_space<vmem>> -> memref<16x128xf32, #tpu.memory_space<vmem>>
      %dma_start3A_59 = arith.constant 0 : i32
      %dma_start3A_60 = tpu.memref_slice %arg5[%add3A_9, %dma_start3A_59] : memref<320000x128xf32, #tpu.memory_space<hbm>> -> memref<16x128xf32, #tpu.memory_space<hbm>>
      %dma_start3A_61 = arith.constant 0 : i32
      %dma_start3A_62 = tpu.memref_slice %arg5[%add3A_9, %dma_start3A_61] : memref<320000x128xf32, #tpu.memory_space<hbm>> -> memref<16x128xf32, #tpu.memory_space<hbm>>
      %dma_start3A_63 = arith.constant 0 : i32
      %dma_start3A_64 = arith.constant 0 : i32
      %dma_start3A_65 = tpu.memref_slice %arg11[%dma_start3A_63, %dma_start3A_64] : memref<128x128xf32, #tpu.memory_space<vmem>> -> memref<16x128xf32, #tpu.memory_space<vmem>>
      tpu.enqueue_dma source(%dma_start3A_65 : memref<16x128xf32, #tpu.memory_space<vmem>>) target(%dma_start3A_62 : memref<16x128xf32, #tpu.memory_space<hbm>>) target_semaphore(%run_scoped3A : memref<!tpu.dma_semaphore, #tpu.memory_space<semaphore_mem>>)
      %dma_wait3A_66 = arith.constant 0 : i32
      %dma_wait3A_67 = arith.constant 0 : i32
      %dma_wait3A_68 = tpu.memref_slice %arg11[%dma_wait3A_66, %dma_wait3A_67] : memref<128x128xf32, #tpu.memory_space<vmem>> -> memref<16x128xf32, #tpu.memory_space<vmem>>
      %dma_wait3A_69 = arith.constant 0 : i32
      %dma_wait3A_70 = tpu.memref_slice %arg5[%add3A_9, %dma_wait3A_69] : memref<320000x128xf32, #tpu.memory_space<hbm>> -> memref<16x128xf32, #tpu.memory_space<hbm>>
      %dma_wait3A_71 = arith.constant 0 : i32
      %dma_wait3A_72 = tpu.memref_slice %arg5[%add3A_9, %dma_wait3A_71] : memref<320000x128xf32, #tpu.memory_space<hbm>> -> memref<16x128xf32, #tpu.memory_space<hbm>>
      %dma_wait3A_73 = arith.constant 0 : i32
      %dma_wait3A_74 = arith.constant 0 : i32
      %dma_wait3A_75 = tpu.memref_slice %arg11[%dma_wait3A_73, %dma_wait3A_74] : memref<128x128xf32, #tpu.memory_space<vmem>> -> memref<16x128xf32, #tpu.memory_space<vmem>>
      tpu.wait_dma2 semaphore(%run_scoped3A : memref<!tpu.dma_semaphore, #tpu.memory_space<semaphore_mem>>) src(%dma_wait3A_75 : memref<16x128xf32, #tpu.memory_space<vmem>>) dst(%dma_wait3A_72 : memref<16x128xf32, #tpu.memory_space<hbm>>)
      tpu.yield
    }) : () -> ()
    "tpu.region"() ({
      %run_scoped3A = tpu.sem_alloc : memref<!tpu.dma_semaphore, #tpu.memory_space<semaphore_mem>>
      %dma_start3A_56 = arith.constant 0 : i32
      %dma_start3A_57 = arith.constant 0 : i32
      %dma_start3A_58 = tpu.memref_slice %arg12[%dma_start3A_56, %dma_start3A_57] : memref<128x128xf32, #tpu.memory_space<vmem>> -> memref<16x128xf32, #tpu.memory_space<vmem>>
      %dma_start3A_59 = arith.constant 0 : i32
      %dma_start3A_60 = tpu.memref_slice %arg6[%add3A_9, %dma_start3A_59] : memref<320000x128xf32, #tpu.memory_space<hbm>> -> memref<16x128xf32, #tpu.memory_space<hbm>>
      %dma_start3A_61 = arith.constant 0 : i32
      %dma_start3A_62 = tpu.memref_slice %arg6[%add3A_9, %dma_start3A_61] : memref<320000x128xf32, #tpu.memory_space<hbm>> -> memref<16x128xf32, #tpu.memory_space<hbm>>
      %dma_start3A_63 = arith.constant 0 : i32
      %dma_start3A_64 = arith.constant 0 : i32
      %dma_start3A_65 = tpu.memref_slice %arg12[%dma_start3A_63, %dma_start3A_64] : memref<128x128xf32, #tpu.memory_space<vmem>> -> memref<16x128xf32, #tpu.memory_space<vmem>>
      tpu.enqueue_dma source(%dma_start3A_65 : memref<16x128xf32, #tpu.memory_space<vmem>>) target(%dma_start3A_62 : memref<16x128xf32, #tpu.memory_space<hbm>>) target_semaphore(%run_scoped3A : memref<!tpu.dma_semaphore, #tpu.memory_space<semaphore_mem>>)
      %dma_wait3A_66 = arith.constant 0 : i32
      %dma_wait3A_67 = arith.constant 0 : i32
      %dma_wait3A_68 = tpu.memref_slice %arg12[%dma_wait3A_66, %dma_wait3A_67] : memref<128x128xf32, #tpu.memory_space<vmem>> -> memref<16x128xf32, #tpu.memory_space<vmem>>
      %dma_wait3A_69 = arith.constant 0 : i32
      %dma_wait3A_70 = tpu.memref_slice %arg6[%add3A_9, %dma_wait3A_69] : memref<320000x128xf32, #tpu.memory_space<hbm>> -> memref<16x128xf32, #tpu.memory_space<hbm>>
      %dma_wait3A_71 = arith.constant 0 : i32
      %dma_wait3A_72 = tpu.memref_slice %arg6[%add3A_9, %dma_wait3A_71] : memref<320000x128xf32, #tpu.memory_space<hbm>> -> memref<16x128xf32, #tpu.memory_space<hbm>>
      %dma_wait3A_73 = arith.constant 0 : i32
      %dma_wait3A_74 = arith.constant 0 : i32
      %dma_wait3A_75 = tpu.memref_slice %arg12[%dma_wait3A_73, %dma_wait3A_74] : memref<128x128xf32, #tpu.memory_space<vmem>> -> memref<16x128xf32, #tpu.memory_space<vmem>>
      tpu.wait_dma2 semaphore(%run_scoped3A : memref<!tpu.dma_semaphore, #tpu.memory_space<semaphore_mem>>) src(%dma_wait3A_75 : memref<16x128xf32, #tpu.memory_space<vmem>>) dst(%dma_wait3A_72 : memref<16x128xf32, #tpu.memory_space<hbm>>)
      tpu.yield
    }) : () -> ()
    return
  }
}

module attributes {stable_mosaic.version = 14 : i64} {
  func.func @_tc_body(%arg0: i32, %arg1: memref<2560x1xf32, #tpu.memory_space<vmem>>, %arg2: memref<160x128xf32, #tpu.memory_space<vmem>>, %arg3: memref<2560x128xf32, #tpu.memory_space<vmem>>, %arg4: memref<2560x9xf32, #tpu.memory_space<vmem>>, %arg5: memref<2560x128xf32, #tpu.memory_space<vmem>>, %arg6: memref<2560x128xf32, #tpu.memory_space<vmem>>, %arg7: memref<1x128xf32, #tpu.memory_space<vmem>>, %arg8: memref<128x128xf32, #tpu.memory_space<vmem>>, %arg9: memref<128x2048xf32, #tpu.memory_space<vmem>>, %arg10: memref<128x128xf32, #tpu.memory_space<vmem>>, %arg11: memref<128x128xf32, #tpu.memory_space<vmem>>, %arg12: memref<1x128xf32, #tpu.memory_space<vmem>>, %arg13: memref<128x128xf32, #tpu.memory_space<vmem>>, %arg14: memref<1x128xf32, #tpu.memory_space<vmem>>, %arg15: memref<128x128xf32, #tpu.memory_space<vmem>>, %arg16: memref<1x128xf32, #tpu.memory_space<vmem>>, %arg17: memref<128x96xf32, #tpu.memory_space<vmem>>, %arg18: memref<1x96xf32, #tpu.memory_space<vmem>>, %arg19: memref<96x288xf32, #tpu.memory_space<vmem>>, %arg20: memref<9x288xf32, #tpu.memory_space<vmem>>, %arg21: memref<2560x128xf32, #tpu.memory_space<vmem>>, %arg22: memref<2560x288xf32, #tpu.memory_space<vmem>>, %arg23: memref<2560x1xf32, #tpu.memory_space<vmem>>) attributes {dimension_semantics = [#tpu.dimension_semantics<arbitrary>], iteration_bounds = array<i64: 125>, scalar_prefetch = 0 : i64, scratch_operands = 0 : i64, tpu.core_type = #tpu.core_type<tc>, window_params = [{transform_indices = @transform_0, window_bounds = array<i64: 2560, 1>}, {transform_indices = @transform_1, window_bounds = array<i64: 160, 128>}, {transform_indices = @transform_2, window_bounds = array<i64: 2560, 128>}, {transform_indices = @transform_3, window_bounds = array<i64: 2560, 9>}, {transform_indices = @transform_4, window_bounds = array<i64: 2560, 128>}, {transform_indices = @transform_5, window_bounds = array<i64: 2560, 128>}, {pipeline_mode = #tpu.pipeline_mode<synchronous>, transform_indices = @transform_6, window_bounds = array<i64: 1, 128>}, {pipeline_mode = #tpu.pipeline_mode<synchronous>, transform_indices = @transform_7, window_bounds = array<i64: 128, 128>}, {pipeline_mode = #tpu.pipeline_mode<synchronous>, transform_indices = @transform_8, window_bounds = array<i64: 128, 2048>}, {pipeline_mode = #tpu.pipeline_mode<synchronous>, transform_indices = @transform_9, window_bounds = array<i64: 128, 128>}, {pipeline_mode = #tpu.pipeline_mode<synchronous>, transform_indices = @transform_10, window_bounds = array<i64: 128, 128>}, {pipeline_mode = #tpu.pipeline_mode<synchronous>, transform_indices = @transform_11, window_bounds = array<i64: 1, 128>}, {pipeline_mode = #tpu.pipeline_mode<synchronous>, transform_indices = @transform_12, window_bounds = array<i64: 128, 128>}, {pipeline_mode = #tpu.pipeline_mode<synchronous>, transform_indices = @transform_13, window_bounds = array<i64: 1, 128>}, {pipeline_mode = #tpu.pipeline_mode<synchronous>, transform_indices = @transform_14, window_bounds = array<i64: 128, 128>}, {pipeline_mode = #tpu.pipeline_mode<synchronous>, transform_indices = @transform_15, window_bounds = array<i64: 1, 128>}, {pipeline_mode = #tpu.pipeline_mode<synchronous>, transform_indices = @transform_16, window_bounds = array<i64: 128, 96>}, {pipeline_mode = #tpu.pipeline_mode<synchronous>, transform_indices = @transform_17, window_bounds = array<i64: 1, 96>}, {pipeline_mode = #tpu.pipeline_mode<synchronous>, transform_indices = @transform_18, window_bounds = array<i64: 96, 288>}, {pipeline_mode = #tpu.pipeline_mode<synchronous>, transform_indices = @transform_19, window_bounds = array<i64: 9, 288>}, {transform_indices = @transform_20, window_bounds = array<i64: 2560, 128>}, {transform_indices = @transform_21, window_bounds = array<i64: 2560, 288>}, {transform_indices = @transform_22, window_bounds = array<i64: 2560, 1>}]} {
    %get3A = arith.constant 0 : index
    %get3A_0 = arith.constant 0 : index
    %get3A_1 = vector.load %arg1[%get3A, %get3A_0] : memref<2560x1xf32, #tpu.memory_space<vmem>>, vector<2560x1xf32>
    %ne3A = arith.cmpf one, %get3A_1, %get3A_1 : vector<2560x1xf32>
    %jit3A = arith.constant 0.000000e+00 : f32
    %broadcast_in_dim3A = vector.broadcast %jit3A : f32 to vector<2560x1xf32>
    %select_n3A = arith.select %ne3A, %broadcast_in_dim3A, %get3A_1 : vector<2560x1xi1>, vector<2560x1xf32>
    %mul3A = arith.constant 2.000000e-01 : f32
    %mul3A_2 = vector.broadcast %mul3A : f32 to vector<2560x1xf32>
    %mul3A_3 = arith.mulf %select_n3A, %mul3A_2 : vector<2560x1xf32>
    %mul3A_4 = arith.mulf %mul3A_3, %mul3A_3 : vector<2560x1xf32>
    %mul3A_5 = arith.mulf %mul3A_4, %mul3A_4 : vector<2560x1xf32>
    %mul3A_6 = arith.mulf %mul3A_5, %mul3A_4 : vector<2560x1xf32>
    %mul3A_7 = arith.mulf %mul3A_6, %mul3A_3 : vector<2560x1xf32>
    %mul3A_8 = arith.mulf %mul3A_7, %mul3A_3 : vector<2560x1xf32>
    %mul3A_9 = arith.constant 2.800000e+01 : f32
    %mul3A_10 = vector.broadcast %mul3A_9 : f32 to vector<2560x1xf32>
    %mul3A_11 = arith.mulf %mul3A_10, %mul3A_6 : vector<2560x1xf32>
    %sub3A = arith.constant 1.000000e+00 : f32
    %sub3A_12 = vector.broadcast %sub3A : f32 to vector<2560x1xf32>
    %sub3A_13 = arith.subf %sub3A_12, %mul3A_11 : vector<2560x1xf32>
    %mul3A_14 = arith.constant 4.800000e+01 : f32
    %mul3A_15 = vector.broadcast %mul3A_14 : f32 to vector<2560x1xf32>
    %mul3A_16 = arith.mulf %mul3A_15, %mul3A_7 : vector<2560x1xf32>
    %add3A = arith.addf %sub3A_13, %mul3A_16 : vector<2560x1xf32>
    %mul3A_17 = arith.constant 2.100000e+01 : f32
    %mul3A_18 = vector.broadcast %mul3A_17 : f32 to vector<2560x1xf32>
    %mul3A_19 = arith.mulf %mul3A_18, %mul3A_8 : vector<2560x1xf32>
    %sub3A_20 = arith.subf %add3A, %mul3A_19 : vector<2560x1xf32>
    %lt3A = arith.constant 1.000000e+00 : f32
    %lt3A_21 = vector.broadcast %lt3A : f32 to vector<2560x1xf32>
    %lt3A_22 = arith.cmpf olt, %mul3A_3, %lt3A_21 : vector<2560x1xf32>
    %jit3A_23 = arith.constant 0.000000e+00 : f32
    %broadcast_in_dim3A_24 = vector.broadcast %jit3A_23 : f32 to vector<2560x1xf32>
    %select_n3A_25 = arith.select %lt3A_22, %sub3A_20, %broadcast_in_dim3A_24 : vector<2560x1xi1>, vector<2560x1xf32>
    %gt3A = arith.constant 0.000000e+00 : f32
    %gt3A_26 = vector.broadcast %gt3A : f32 to vector<2560x1xf32>
    %gt3A_27 = arith.cmpf ogt, %select_n3A_25, %gt3A_26 : vector<2560x1xf32>
    %convert_element_type3A = arith.extui %gt3A_27 : vector<2560x1xi1> to vector<2560x1xi32>
    %convert_element_type3A_28 = arith.sitofp %convert_element_type3A : vector<2560x1xi32> to vector<2560x1xf32>
    %get3A_29 = arith.constant 0 : index
    %get3A_30 = arith.constant 0 : index
    %get3A_31 = vector.load %arg2[%get3A_29, %get3A_30] : memref<160x128xf32, #tpu.memory_space<vmem>>, vector<160x128xf32>
    %ne3A_32 = arith.cmpf one, %get3A_31, %get3A_31 : vector<160x128xf32>
    %jit3A_33 = arith.constant 0.000000e+00 : f32
    %broadcast_in_dim3A_34 = vector.broadcast %jit3A_33 : f32 to vector<160x128xf32>
    %select_n3A_35 = arith.select %ne3A_32, %broadcast_in_dim3A_34, %get3A_31 : vector<160x128xi1>, vector<160x128xf32>
    %div3A = arith.constant 4.000000e-01 : f32
    %div3A_36 = vector.broadcast %div3A : f32 to vector<160x128xf32>
    %div3A_37 = arith.divf %div3A_36, %select_n3A_35 : vector<160x128xf32>
    %get3A_38 = arith.constant 0 : index
    %get3A_39 = arith.constant 0 : index
    %get3A_40 = vector.load %arg7[%get3A_38, %get3A_39] : memref<1x128xf32, #tpu.memory_space<vmem>>, vector<1x128xf32>
    %mul3A_41 = vector.broadcast %get3A_40 : vector<1x128xf32> to vector<160x128xf32>
    %mul3A_42 = arith.mulf %select_n3A_35, %mul3A_41 : vector<160x128xf32>
    %sin3A = math.sin %mul3A_42 : vector<160x128xf32>
    %mul3A_43 = arith.mulf %sin3A, %div3A_37 : vector<160x128xf32>
    %get3A_44 = arith.constant 0 : index
    %get3A_45 = arith.constant 0 : index
    %get3A_46 = vector.load %arg9[%get3A_44, %get3A_45] : memref<128x2048xf32, #tpu.memory_space<vmem>>, vector<128x2048xf32>
    %dot_general3A = arith.constant dense<0.000000e+00> : vector<160x2048xf32>
    %dot_general3A_47 = tpu.matmul %mul3A_43, %get3A_46, %dot_general3A {dimension_numbers = #tpu.dot_dimension_numbers<[1], [0], [0], [1], [0, 0, 1, 1], [], []>, transpose_lhs_hint = false} : vector<160x128xf32>, vector<128x2048xf32>, vector<160x2048xf32> -> vector<160x2048xf32>
    %reshape3A = vector.shape_cast %dot_general3A_47 : vector<160x2048xf32> to vector<2560x128xf32>
    %get3A_48 = arith.constant 0 : index
    %get3A_49 = arith.constant 0 : index
    %get3A_50 = vector.load %arg3[%get3A_48, %get3A_49] : memref<2560x128xf32, #tpu.memory_space<vmem>>, vector<2560x128xf32>
    %get3A_51 = arith.constant 0 : index
    %get3A_52 = arith.constant 0 : index
    %get3A_53 = vector.load %arg8[%get3A_51, %get3A_52] : memref<128x128xf32, #tpu.memory_space<vmem>>, vector<128x128xf32>
    %dot_general3A_54 = arith.constant dense<0.000000e+00> : vector<2560x128xf32>
    %dot_general3A_55 = tpu.matmul %get3A_50, %get3A_53, %dot_general3A_54 {dimension_numbers = #tpu.dot_dimension_numbers<[1], [0], [0], [1], [0, 0, 1, 1], [], []>, transpose_lhs_hint = false} : vector<2560x128xf32>, vector<128x128xf32>, vector<2560x128xf32> -> vector<2560x128xf32>
    %add3A_56 = arith.addf %dot_general3A_55, %reshape3A : vector<2560x128xf32>
    %get3A_57 = arith.constant 0 : index
    %get3A_58 = arith.constant 0 : index
    %get3A_59 = vector.load %arg5[%get3A_57, %get3A_58] : memref<2560x128xf32, #tpu.memory_space<vmem>>, vector<2560x128xf32>
    %get3A_60 = arith.constant 0 : index
    %get3A_61 = arith.constant 0 : index
    %get3A_62 = vector.load %arg10[%get3A_60, %get3A_61] : memref<128x128xf32, #tpu.memory_space<vmem>>, vector<128x128xf32>
    %dot_general3A_63 = arith.constant dense<0.000000e+00> : vector<2560x128xf32>
    %dot_general3A_64 = tpu.matmul %get3A_59, %get3A_62, %dot_general3A_63 {dimension_numbers = #tpu.dot_dimension_numbers<[1], [0], [0], [1], [0, 0, 1, 1], [], []>, transpose_lhs_hint = false} : vector<2560x128xf32>, vector<128x128xf32>, vector<2560x128xf32> -> vector<2560x128xf32>
    %add3A_65 = arith.addf %add3A_56, %dot_general3A_64 : vector<2560x128xf32>
    %get3A_66 = arith.constant 0 : index
    %get3A_67 = arith.constant 0 : index
    %get3A_68 = vector.load %arg6[%get3A_66, %get3A_67] : memref<2560x128xf32, #tpu.memory_space<vmem>>, vector<2560x128xf32>
    %get3A_69 = arith.constant 0 : index
    %get3A_70 = arith.constant 0 : index
    %get3A_71 = vector.load %arg11[%get3A_69, %get3A_70] : memref<128x128xf32, #tpu.memory_space<vmem>>, vector<128x128xf32>
    %dot_general3A_72 = arith.constant dense<0.000000e+00> : vector<2560x128xf32>
    %dot_general3A_73 = tpu.matmul %get3A_68, %get3A_71, %dot_general3A_72 {dimension_numbers = #tpu.dot_dimension_numbers<[1], [0], [0], [1], [0, 0, 1, 1], [], []>, transpose_lhs_hint = false} : vector<2560x128xf32>, vector<128x128xf32>, vector<2560x128xf32> -> vector<2560x128xf32>
    %add3A_74 = arith.addf %add3A_65, %dot_general3A_73 : vector<2560x128xf32>
    %get3A_75 = arith.constant 0 : index
    %get3A_76 = arith.constant 0 : index
    %get3A_77 = vector.load %arg12[%get3A_75, %get3A_76] : memref<1x128xf32, #tpu.memory_space<vmem>>, vector<1x128xf32>
    %add3A_78 = vector.broadcast %get3A_77 : vector<1x128xf32> to vector<2560x128xf32>
    %add3A_79 = arith.addf %add3A_74, %add3A_78 : vector<2560x128xf32>
    %neg3A = arith.constant 0.000000e+00 : f32
    %neg3A_80 = vector.broadcast %neg3A : f32 to vector<2560x128xf32>
    %neg3A_81 = arith.subf %neg3A_80, %add3A_79 : vector<2560x128xf32>
    %exp3A = math.exp %neg3A_81 : vector<2560x128xf32>
    %add3A_82 = arith.constant 1.000000e+00 : f32
    %add3A_83 = vector.broadcast %add3A_82 : f32 to vector<2560x128xf32>
    %add3A_84 = arith.addf %add3A_83, %exp3A : vector<2560x128xf32>
    %div3A_85 = arith.divf %add3A_79, %add3A_84 : vector<2560x128xf32>
    %get3A_86 = arith.constant 0 : index
    %get3A_87 = arith.constant 0 : index
    %get3A_88 = vector.load %arg13[%get3A_86, %get3A_87] : memref<128x128xf32, #tpu.memory_space<vmem>>, vector<128x128xf32>
    %dot_general3A_89 = arith.constant dense<0.000000e+00> : vector<2560x128xf32>
    %dot_general3A_90 = tpu.matmul %div3A_85, %get3A_88, %dot_general3A_89 {dimension_numbers = #tpu.dot_dimension_numbers<[1], [0], [0], [1], [0, 0, 1, 1], [], []>, transpose_lhs_hint = false} : vector<2560x128xf32>, vector<128x128xf32>, vector<2560x128xf32> -> vector<2560x128xf32>
    %get3A_91 = arith.constant 0 : index
    %get3A_92 = arith.constant 0 : index
    %get3A_93 = vector.load %arg14[%get3A_91, %get3A_92] : memref<1x128xf32, #tpu.memory_space<vmem>>, vector<1x128xf32>
    %add3A_94 = vector.broadcast %get3A_93 : vector<1x128xf32> to vector<2560x128xf32>
    %add3A_95 = arith.addf %dot_general3A_90, %add3A_94 : vector<2560x128xf32>
    %neg3A_96 = arith.constant 0.000000e+00 : f32
    %neg3A_97 = vector.broadcast %neg3A_96 : f32 to vector<2560x128xf32>
    %neg3A_98 = arith.subf %neg3A_97, %add3A_95 : vector<2560x128xf32>
    %exp3A_99 = math.exp %neg3A_98 : vector<2560x128xf32>
    %add3A_100 = arith.constant 1.000000e+00 : f32
    %add3A_101 = vector.broadcast %add3A_100 : f32 to vector<2560x128xf32>
    %add3A_102 = arith.addf %add3A_101, %exp3A_99 : vector<2560x128xf32>
    %div3A_103 = arith.divf %add3A_95, %add3A_102 : vector<2560x128xf32>
    %get3A_104 = arith.constant 0 : index
    %get3A_105 = arith.constant 0 : index
    %get3A_106 = vector.load %arg15[%get3A_104, %get3A_105] : memref<128x128xf32, #tpu.memory_space<vmem>>, vector<128x128xf32>
    %dot_general3A_107 = arith.constant dense<0.000000e+00> : vector<2560x128xf32>
    %dot_general3A_108 = tpu.matmul %div3A_103, %get3A_106, %dot_general3A_107 {dimension_numbers = #tpu.dot_dimension_numbers<[1], [0], [0], [1], [0, 0, 1, 1], [], []>, transpose_lhs_hint = false} : vector<2560x128xf32>, vector<128x128xf32>, vector<2560x128xf32> -> vector<2560x128xf32>
    %get3A_109 = arith.constant 0 : index
    %get3A_110 = arith.constant 0 : index
    %get3A_111 = vector.load %arg16[%get3A_109, %get3A_110] : memref<1x128xf32, #tpu.memory_space<vmem>>, vector<1x128xf32>
    %add3A_112 = vector.broadcast %get3A_111 : vector<1x128xf32> to vector<2560x128xf32>
    %add3A_113 = arith.addf %dot_general3A_108, %add3A_112 : vector<2560x128xf32>
    %mul3A_114 = arith.mulf %select_n3A_25, %convert_element_type3A_28 : vector<2560x1xf32>
    %mul3A_115 = vector.broadcast %mul3A_114 : vector<2560x1xf32> to vector<2560x128xf32>
    %mul3A_116 = arith.mulf %mul3A_115, %add3A_113 : vector<2560x128xf32>
    %get3A_117 = arith.constant 0 : index
    %get3A_118 = arith.constant 0 : index
    %get3A_119 = vector.load %arg17[%get3A_117, %get3A_118] : memref<128x96xf32, #tpu.memory_space<vmem>>, vector<128x96xf32>
    %dot_general3A_120 = arith.constant dense<0.000000e+00> : vector<2560x96xf32>
    %dot_general3A_121 = tpu.matmul %mul3A_116, %get3A_119, %dot_general3A_120 {dimension_numbers = #tpu.dot_dimension_numbers<[1], [0], [0], [1], [0, 0, 1, 1], [], []>, transpose_lhs_hint = false} : vector<2560x128xf32>, vector<128x96xf32>, vector<2560x96xf32> -> vector<2560x96xf32>
    %get3A_122 = arith.constant 0 : index
    %get3A_123 = arith.constant 0 : index
    %get3A_124 = vector.load %arg18[%get3A_122, %get3A_123] : memref<1x96xf32, #tpu.memory_space<vmem>>, vector<1x96xf32>
    %add3A_125 = vector.broadcast %get3A_124 : vector<1x96xf32> to vector<2560x96xf32>
    %add3A_126 = arith.addf %dot_general3A_121, %add3A_125 : vector<2560x96xf32>
    %get3A_127 = arith.constant 0 : index
    %get3A_128 = arith.constant 0 : index
    %get3A_129 = vector.load %arg19[%get3A_127, %get3A_128] : memref<96x288xf32, #tpu.memory_space<vmem>>, vector<96x288xf32>
    %dot_general3A_130 = arith.constant dense<0.000000e+00> : vector<2560x288xf32>
    %dot_general3A_131 = tpu.matmul %add3A_126, %get3A_129, %dot_general3A_130 {dimension_numbers = #tpu.dot_dimension_numbers<[1], [0], [0], [1], [0, 0, 1, 1], [], []>, transpose_lhs_hint = false} : vector<2560x96xf32>, vector<96x288xf32>, vector<2560x288xf32> -> vector<2560x288xf32>
    %get3A_132 = arith.constant 0 : index
    %get3A_133 = arith.constant 0 : index
    %get3A_134 = vector.load %arg4[%get3A_132, %get3A_133] : memref<2560x9xf32, #tpu.memory_space<vmem>>, vector<2560x9xf32>
    %get3A_135 = arith.constant 0 : index
    %get3A_136 = arith.constant 0 : index
    %get3A_137 = vector.load %arg20[%get3A_135, %get3A_136] : memref<9x288xf32, #tpu.memory_space<vmem>>, vector<9x288xf32>
    %dot_general3A_138 = arith.constant dense<0.000000e+00> : vector<2560x288xf32>
    %dot_general3A_139 = tpu.matmul %get3A_134, %get3A_137, %dot_general3A_138 {dimension_numbers = #tpu.dot_dimension_numbers<[1], [0], [0], [1], [0, 0, 1, 1], [], []>, transpose_lhs_hint = false} : vector<2560x9xf32>, vector<9x288xf32>, vector<2560x288xf32> -> vector<2560x288xf32>
    %mul3A_140 = arith.mulf %dot_general3A_131, %dot_general3A_139 : vector<2560x288xf32>
    %mul3A_141 = vector.broadcast %convert_element_type3A_28 : vector<2560x1xf32> to vector<2560x288xf32>
    %mul3A_142 = arith.mulf %mul3A_140, %mul3A_141 : vector<2560x288xf32>
    %swap3A = arith.constant 0 : index
    %swap3A_143 = arith.constant 0 : index
    %swap3A_144 = vector.load %arg21[%swap3A, %swap3A_143] : memref<2560x128xf32, #tpu.memory_space<vmem>>, vector<2560x128xf32>
    tpu.vector_store %arg21[%swap3A, %swap3A_143], %mul3A_116 {strides = array<i32>} : memref<2560x128xf32, #tpu.memory_space<vmem>>, vector<2560x128xf32>,
    %swap3A_145 = arith.constant 0 : index
    %swap3A_146 = arith.constant 0 : index
    %swap3A_147 = vector.load %arg22[%swap3A_145, %swap3A_146] : memref<2560x288xf32, #tpu.memory_space<vmem>>, vector<2560x288xf32>
    tpu.vector_store %arg22[%swap3A_145, %swap3A_146], %mul3A_142 {strides = array<i32>} : memref<2560x288xf32, #tpu.memory_space<vmem>>, vector<2560x288xf32>,
    %swap3A_148 = arith.constant 0 : index
    %swap3A_149 = arith.constant 0 : index
    %swap3A_150 = vector.load %arg23[%swap3A_148, %swap3A_149] : memref<2560x1xf32, #tpu.memory_space<vmem>>, vector<2560x1xf32>
    tpu.vector_store %arg23[%swap3A_148, %swap3A_149], %select_n3A_25 {strides = array<i32>} : memref<2560x1xf32, #tpu.memory_space<vmem>>, vector<2560x1xf32>,
    return
  }
  func.func @transform_0(%arg0: i32) -> (i32, i32) {
    %c0_i32 = arith.constant 0 : i32
    %c0_i32_0 = arith.constant 0 : i32
    return %arg0, %c0_i32 : i32, i32
  }
  func.func @transform_1(%arg0: i32) -> (i32, i32) {
    %c0_i32 = arith.constant 0 : i32
    %c0_i32_0 = arith.constant 0 : i32
    return %arg0, %c0_i32 : i32, i32
  }
  func.func @transform_2(%arg0: i32) -> (i32, i32) {
    %c0_i32 = arith.constant 0 : i32
    %c0_i32_0 = arith.constant 0 : i32
    return %arg0, %c0_i32 : i32, i32
  }
  func.func @transform_3(%arg0: i32) -> (i32, i32) {
    %c0_i32 = arith.constant 0 : i32
    %c0_i32_0 = arith.constant 0 : i32
    return %arg0, %c0_i32 : i32, i32
  }
  func.func @transform_4(%arg0: i32) -> (i32, i32) {
    %c0_i32 = arith.constant 0 : i32
    %c0_i32_0 = arith.constant 0 : i32
    return %arg0, %c0_i32 : i32, i32
  }
  func.func @transform_5(%arg0: i32) -> (i32, i32) {
    %c0_i32 = arith.constant 0 : i32
    %c0_i32_0 = arith.constant 0 : i32
    return %arg0, %c0_i32 : i32, i32
  }
  func.func @transform_6(%arg0: i32) -> (i32, i32) {
    %c0_i32 = arith.constant 0 : i32
    %c0_i32_0 = arith.constant 0 : i32
    %c0_i32_1 = arith.constant 0 : i32
    return %c0_i32, %c0_i32_0 : i32, i32
  }
  func.func @transform_7(%arg0: i32) -> (i32, i32) {
    %c0_i32 = arith.constant 0 : i32
    %c0_i32_0 = arith.constant 0 : i32
    %c0_i32_1 = arith.constant 0 : i32
    return %c0_i32, %c0_i32_0 : i32, i32
  }
  func.func @transform_8(%arg0: i32) -> (i32, i32) {
    %c0_i32 = arith.constant 0 : i32
    %c0_i32_0 = arith.constant 0 : i32
    %c0_i32_1 = arith.constant 0 : i32
    return %c0_i32, %c0_i32_0 : i32, i32
  }
  func.func @transform_9(%arg0: i32) -> (i32, i32) {
    %c0_i32 = arith.constant 0 : i32
    %c0_i32_0 = arith.constant 0 : i32
    %c0_i32_1 = arith.constant 0 : i32
    return %c0_i32, %c0_i32_0 : i32, i32
  }
  func.func @transform_10(%arg0: i32) -> (i32, i32) {
    %c0_i32 = arith.constant 0 : i32
    %c0_i32_0 = arith.constant 0 : i32
    %c0_i32_1 = arith.constant 0 : i32
    return %c0_i32, %c0_i32_0 : i32, i32
  }
  func.func @transform_11(%arg0: i32) -> (i32, i32) {
    %c0_i32 = arith.constant 0 : i32
    %c0_i32_0 = arith.constant 0 : i32
    %c0_i32_1 = arith.constant 0 : i32
    return %c0_i32, %c0_i32_0 : i32, i32
  }
  func.func @transform_12(%arg0: i32) -> (i32, i32) {
    %c0_i32 = arith.constant 0 : i32
    %c0_i32_0 = arith.constant 0 : i32
    %c0_i32_1 = arith.constant 0 : i32
    return %c0_i32, %c0_i32_0 : i32, i32
  }
  func.func @transform_13(%arg0: i32) -> (i32, i32) {
    %c0_i32 = arith.constant 0 : i32
    %c0_i32_0 = arith.constant 0 : i32
    %c0_i32_1 = arith.constant 0 : i32
    return %c0_i32, %c0_i32_0 : i32, i32
  }
  func.func @transform_14(%arg0: i32) -> (i32, i32) {
    %c0_i32 = arith.constant 0 : i32
    %c0_i32_0 = arith.constant 0 : i32
    %c0_i32_1 = arith.constant 0 : i32
    return %c0_i32, %c0_i32_0 : i32, i32
  }
  func.func @transform_15(%arg0: i32) -> (i32, i32) {
    %c0_i32 = arith.constant 0 : i32
    %c0_i32_0 = arith.constant 0 : i32
    %c0_i32_1 = arith.constant 0 : i32
    return %c0_i32, %c0_i32_0 : i32, i32
  }
  func.func @transform_16(%arg0: i32) -> (i32, i32) {
    %c0_i32 = arith.constant 0 : i32
    %c0_i32_0 = arith.constant 0 : i32
    %c0_i32_1 = arith.constant 0 : i32
    return %c0_i32, %c0_i32_0 : i32, i32
  }
  func.func @transform_17(%arg0: i32) -> (i32, i32) {
    %c0_i32 = arith.constant 0 : i32
    %c0_i32_0 = arith.constant 0 : i32
    %c0_i32_1 = arith.constant 0 : i32
    return %c0_i32, %c0_i32_0 : i32, i32
  }
  func.func @transform_18(%arg0: i32) -> (i32, i32) {
    %c0_i32 = arith.constant 0 : i32
    %c0_i32_0 = arith.constant 0 : i32
    %c0_i32_1 = arith.constant 0 : i32
    return %c0_i32, %c0_i32_0 : i32, i32
  }
  func.func @transform_19(%arg0: i32) -> (i32, i32) {
    %c0_i32 = arith.constant 0 : i32
    %c0_i32_0 = arith.constant 0 : i32
    %c0_i32_1 = arith.constant 0 : i32
    return %c0_i32, %c0_i32_0 : i32, i32
  }
  func.func @transform_20(%arg0: i32) -> (i32, i32) {
    %c0_i32 = arith.constant 0 : i32
    %c0_i32_0 = arith.constant 0 : i32
    return %arg0, %c0_i32 : i32, i32
  }
  func.func @transform_21(%arg0: i32) -> (i32, i32) {
    %c0_i32 = arith.constant 0 : i32
    %c0_i32_0 = arith.constant 0 : i32
    return %arg0, %c0_i32 : i32, i32
  }
  func.func @transform_22(%arg0: i32) -> (i32, i32) {
    %c0_i32 = arith.constant 0 : i32
    %c0_i32_0 = arith.constant 0 : i32
    return %arg0, %c0_i32 : i32, i32
  }
}

module attributes {stable_mosaic.version = 14 : i64} {
  func.func @_tail_body(%arg0: memref<10000x32xf32, #tpu.memory_space<vmem>>, %arg1: memref<10000x32xf32, #tpu.memory_space<vmem>>, %arg2: memref<10000x32xf32, #tpu.memory_space<vmem>>) attributes {dimension_semantics = [], scalar_prefetch = 0 : i64, scratch_operands = 0 : i64, tpu.core_type = #tpu.core_type<tc>} {
    %get3A = arith.constant 0 : index
    %get3A_0 = arith.constant 0 : index
    %get3A_1 = vector.load %arg0[%get3A, %get3A_0] : memref<10000x32xf32, #tpu.memory_space<vmem>>, vector<10000x32xf32>
    %get3A_2 = arith.constant 0 : index
    %get3A_3 = arith.constant 0 : index
    %get3A_4 = vector.load %arg1[%get3A_2, %get3A_3] : memref<10000x32xf32, #tpu.memory_space<vmem>>, vector<10000x32xf32>
    %add3A = arith.addf %get3A_1, %get3A_4 : vector<10000x32xf32>
    %mul3A = arith.constant 0.176776692 : f32
    %mul3A_5 = vector.broadcast %mul3A : f32 to vector<10000x32xf32>
    %mul3A_6 = arith.mulf %add3A, %mul3A_5 : vector<10000x32xf32>
    %swap3A = arith.constant 0 : index
    %swap3A_7 = arith.constant 0 : index
    %swap3A_8 = vector.load %arg2[%swap3A, %swap3A_7] : memref<10000x32xf32, #tpu.memory_space<vmem>>, vector<10000x32xf32>
    tpu.vector_store %arg2[%swap3A, %swap3A_7], %mul3A_6 {strides = array<i32>} : memref<10000x32xf32, #tpu.memory_space<vmem>>, vector<10000x32xf32>,
    return
  }
}

</mosaic_0001>

<sc_bundles>
// kernel: kernel.6.cloned.1.call-start
scs
__scs_entry_jumppad:
0x0: {  	(pc) =	sbr.rel $0x88, $3  }
0x1: {  	(tag) =	ssettag $0x0;
	lr =	simm.s32 $0x1  }
0x2: {  	[smem:$0x3F93] =	sst lr;
	_ =	strace $0xD0000000  }
0x3: {  	_ = 	snop  }
0x4: {  	_ = 	snop  }
0x5: {  	_ = 	snop  }
0x6: {  	_ = 	snop  }
0x7: {  	_ = 	snop  }
__scs_overlays_trampoline_lowered:
0x8: {  	[smem:$0x3FA2] =	sst s0  }
0x9: {  	[smem:$0x3FA3] =	sst s1  }
0xa: {  	[smem:$0x3FA4] =	sst s2  }
0xb: {  	[smem:$0x3FA5] =	sst s3  }
0xc: {  	[smem:$0x3FA6] =	sst s4  }
0xd: {  	[smem:$0x3FA7] =	sst s5  }
0xe: {  	[smem:$0x3FA8] =	sst s6  }
0xf: {  	[smem:$0x3FA9] =	sst s7  }
0x10: {  	[smem:$0x3FAA] =	sst s8  }
0x11: {  	[smem:$0x3FAB] =	sst s9;
	s0 =	simm.s32 @!p0 $0x0  }
0x12: {  	s1 =	sld [smem:$0x3F91];
	s0 =	simm.s32 @p0 $0x1  }
0x13: {  	[smem:$0x3FAC] =	sst s0;
	s0 =	simm.s32 @!p1 $0x0  }
0x14: {  	s2 =	sld [smem:$0x3F90];
	s0 =	simm.s32 @p1 $0x1  }
0x15: {  	[smem:$0x3FAD] =	sst s0;
	s0 =	simm.s32 @!p2 $0x0  }
0x16: {  	s3 =	sld [smem:$0x3FDB];
	s0 =	simm.s32 @p2 $0x1  }
0x17: {  	s4 =	simm.s32 $0x1BF5;
	[smem:$0x3FAF] =	sst s0  }
0x18: {  	s0 =	sld [smem:$0x3F92];
	_ =	swait.ge [sflag:s4], $0x0  }
0x19: {  	s7 =	sld [smem:$0x3F93]  }
0x1a: {  	s8 =	sadd.s32 $0xFFFFE003, lr  }
0x1b: {  	s9 =	sadd.s32 $0xFFFFFEF7, lr;
	s5 =	simm.s32 $0xFFFFFFFF;
	p2 =	slt.u32 s8, $0xFFFFF086  }
0x1c: {  	p1 =	slt.u32 s9, $0xF7A;
	s5 =	simm.s32 @!p2 $0x0  }
0x1d: {  	s5 =	simm.s32 @p1 $0x1;
	p0 =	seq.s32 s7, s2  }
0x1e: {  	s7 =	smul.u32 @!p0 $0xF7A, s2;
	p2 =	seq.s32 @!p0 s5, $0x0  }
0x1f: {  	s9 =	smul.u32 $0xF7A, s1;
	s8 =	simm.s32 @!p0 $0x1BF5;
	p2 =	por !p2, p0  }
0x20: {  	[sflag:s8] =	ssyncset.s32 @!p0 $0xFFFFF086;
	s6 =	sadd.s32 @!p0 s3, s7;
	s7 =	simm.s32 @!p0 $0x108  }
0x21: {  	s3 =	sadd.s32 s3, s9;
	s6 =	sadd.s32 @!p0 $0x88, s6;
	s7 =	simm.s32 @p2 $0x1082  }
0x22: {  	[simem:s7], [sflag:s8] =	dma.local @!p0 [hbm:s6], $0xF7A  }
0x23: {  	s9 =	sor.u32 $0xD0000000, s2;
	s6 =	simm.s32 $0x108;
	_ =	swait.ge @!p0 [sflag:s8], $0x0  }
0x24: {  	s3 =	sadd.s32 $0x88, s3;
	s6 =	simm.s32 @!p1 $0x1082;
	[sflag:s4] =	ssyncset.s32 $0xFFFFF086  }
0x25: {  	[simem:s6], [sflag:s4] =	dma.local [hbm:s3], $0xF7A  }
0x26: {  	[smem:$0x3F93] =	sst s1;
	(tag) =	ssettag s2;
	_ =	strace s9  }
0x27: {  	s1 =	sld [smem:$0x3FA3]  }
0x28: {  	s2 =	sld [smem:$0x3FA4]  }
0x29: {  	s4 =	sld [smem:$0x3FA6]  }
0x2a: {  	p0 =	seq.s32 s5, $0x0;
	s5 =	sld [smem:$0x3FA7]  }
0x2b: {  	s6 =	sld [smem:$0x3FA8]  }
0x2c: {  	s7 =	sld [smem:$0x3FA9]  }
0x2d: {  	s3 =	simm.s32 $0x108;
	s8 =	sld [smem:$0x3FAA]  }
0x2e: {  	s3 =	simm.s32 @!p0 $0x1082;
	s9 =	sld [smem:$0x3FAB]  }
0x2f: {  	lr =	sadd.s32 s0, s3;
	s0 =	sld [smem:$0x3FA2]  }
0x30: {  	s3 =	sld [smem:$0x3FA5]  }
0x31: {  	[smem:$0x3FAE] =	sst s10  }
0x32: {  	s10 =	sld [smem:$0x3FAC];
	_ =	sdelay $0x3  }
0x33: {  	p0 =	seq.s32 s10, $0x1;
	s10 =	sld [smem:$0x3FAE];
	_ =	sdelay $0x3  }
0x34: {  	[smem:$0x3FAE] =	sst s10  }
0x35: {  	s10 =	sld [smem:$0x3FAD];
	_ =	sdelay $0x3  }
0x36: {  	p1 =	seq.s32 s10, $0x1;
	s10 =	sld [smem:$0x3FAE];
	_ =	sdelay $0x3  }
0x37: {  	[smem:$0x3FAE] =	sst s10  }
0x38: {  	s10 =	sld [smem:$0x3FAF]  }
0x39: {  	_ = 	snop;
	(pc) =	sbr.ind lr, $3  }
0x3a: {  	_ = 	snop  }
0x3b: {  	_ = 	snop  }
0x3c: {  	p2 =	seq.s32 s10, $0x1;
	s10 =	sld [smem:$0x3FAE]  }
0x3d: {  	_ =	shalt  }
0x3e: {  	_ =	shalt  }
0x3f: {  	_ =	shalt  }
0x40: {  	_ =	shalt  }
0x41: {  	_ =	shalt  }
0x42: {  	_ =	shalt  }
0x43: {  	_ =	shalt  }
0x44: {  	_ =	shalt  }
0x45: {  	_ =	shalt  }
0x46: {  	_ =	shalt  }
0x47: {  	_ =	shalt  }
0x48: {  	_ =	shalt  }
0x49: {  	_ =	shalt  }
0x4a: {  	_ =	shalt  }
0x4b: {  	_ =	shalt  }
0x4c: {  	_ =	shalt  }
0x4d: {  	_ =	shalt  }
0x4e: {  	_ =	shalt  }
0x4f: {  	_ =	shalt  }
0x50: {  	_ =	shalt  }
0x51: {  	_ =	shalt  }
0x52: {  	_ =	shalt  }
0x53: {  	_ =	shalt  }
0x54: {  	_ =	shalt  }
0x55: {  	_ =	shalt  }
0x56: {  	_ =	shalt  }
0x57: {  	_ =	shalt  }
0x58: {  	_ =	shalt  }
0x59: {  	_ =	shalt  }
0x5a: {  	_ =	shalt  }
0x5b: {  	_ =	shalt  }
0x5c: {  	_ =	shalt  }
0x5d: {  	_ =	shalt  }
0x5e: {  	_ =	shalt  }
0x5f: {  	_ =	shalt  }
0x60: {  	_ =	shalt  }
0x61: {  	_ =	shalt  }
0x62: {  	_ =	shalt  }
0x63: {  	_ =	shalt  }
0x64: {  	_ =	shalt  }
0x65: {  	_ =	shalt  }
0x66: {  	_ =	shalt  }
0x67: {  	_ =	shalt  }
0x68: {  	_ =	shalt  }
0x69: {  	_ =	shalt  }
0x6a: {  	_ =	shalt  }
0x6b: {  	_ =	shalt  }
0x6c: {  	_ =	shalt  }
0x6d: {  	_ =	shalt  }
0x6e: {  	_ =	shalt  }
0x6f: {  	_ =	shalt  }
0x70: {  	_ =	shalt  }
0x71: {  	_ =	shalt  }
0x72: {  	_ =	shalt  }
0x73: {  	_ =	shalt  }
0x74: {  	_ =	shalt  }
0x75: {  	_ =	shalt  }
0x76: {  	_ =	shalt  }
0x77: {  	_ =	shalt  }
0x78: {  	_ =	shalt  }
0x79: {  	_ =	shalt  }
0x7a: {  	_ =	shalt  }
0x7b: {  	_ =	shalt  }
0x7c: {  	_ =	shalt  }
0x7d: {  	_ =	shalt  }
0x7e: {  	_ =	shalt  }
0x7f: {  	_ =	shalt  }
0x80: {  	_ =	shalt  }
0x81: {  	_ =	shalt  }
0x82: {  	_ =	shalt  }
0x83: {  	_ =	shalt  }
0x84: {  	_ =	shalt  }
0x85: {  	_ =	shalt  }
0x86: {  	_ =	shalt  }
0x87: {  	_ =	shalt  }
.Lfunc_end0:
.L_simem_size_0:
called_computation_lowered:
.L_overlay_start_0:
0x88: {  	s2 =	sld [smem:$0x3FD9]  }
0x89: {  	s3 =	sld [smem:$0x3FFE];
	_ =	sdelay $0x1  }
0x8a: {  	s1 =	srdreg.scid  }
0x8b: {  	s0 =	sand.u32 $0x1, s1  }
0x8c: {  	s14 =	sshll.u32 s0, $0xA;
	s2 =	sadd.s32 s3, s2  }
0x8d: {  	s2 =	sadd.s32 s2, s14  }
0x8e: {  	[smem:$0x3FBA] =	sst s2  }
0x8f: {  	_ = 	snop  }
0x90: {  	s2 =	sld [smem:$0x3FD0];
	_ =	sdelay $0x2  }
0x91: {  	s4 =	simm.s32 $0xA;
	s5 =	simm.s32 $0x10;
	s15 =	sld [smem:$0x3FC5]  }
0x92: {  	[smem:s5], [sflag:s4] =	dma.local [hbm:s2], $0x1  }
0x93: {  	_ =	swait.eq [sflag:s4], $0x1  }
0x94: {  	[sflag:s4] =	ssyncset.done $0x0  }
0x95: {  	[sflag:s4] =	ssyncadd.s32 $0xFFFFFFFF  }
0x96: {  	s16 =	sld [smem:$0x13];
	(tm) =	ssettm $0x1  }
0x97: {  	s17 =	sld [smem:$0x3FFB];
	_ =	sdelay $0x3  }
0x98: {  	_ =	strace s17  }
0x99: {  	s4 =	sld [smem:$0x3FFC];
	_ =	sdelay $0x3  }
0x9a: {  	_ =	strace s4  }
0x9b: {  	s4 =	sld [smem:$0x3FFD];
	_ =	sdelay $0x3  }
0x9c: {  	_ =	strace s4  }
0x9d: {  	_ =	strace $0x8FFFFFFF  }
0x9e: {  	s18 =	sld [smem:$0x3FDB];
	_ =	sdelay $0x1  }
0x9f: {  	s19 =	simm.s32 $_scs_section_size  }
0xa0: {  	s6 =	simm.s32 $_size__tile_overlayer_lowered;
	s7 =	simm.s32 $_tile_overlayer_lowered  }
0xa1: {  	s22 =	simm.s32 $0x1BFF;
	s21 =	sshll.u32 s7, $0x1;
	s4 =	sadd.s32 s19, s18  }
0xa2: {  	s8 =	simm.s32 $0x0;
	s20 =	sshll.u32 s6, $0x1;
	s6 =	sadd.s32 s21, s4  }
0xa3: {  	[timem:s8], [sflag:s22] =	dma.local [hbm:s6], s20  }
0xa4: {  	_ =	swait.ge [sflag:s22], s20  }
0xa5: {  	s5 =	ssub.s32 $0x0, s20;
	[sflag:s22] =	ssyncset.done $0x0  }
0xa6: {  	[sflag:s22] =	ssyncadd.s32 s5;
	_ =	sdelay $0x1  }
0xa7: {  	s23 =	simm.s32 $0x1B8B  }
0xa8: {  	_ =	swait.ge [sflag:s23], $0x1  }
0xa9: {  	[sflag:s23] =	ssyncset.done $0x0  }
0xaa: {  	s25 =	simm.s32 $0x1B8E;
	s24 =	sld [smem:$0x3FFE];
	[sflag:s23] =	ssyncadd.s32 $0xFFFFFFFF  }
0xab: {  	s26 =	simm.s32 $execute0_lowered;
	[smem:$0x3FD2] =	sst s25  }
0xac: {  	s6 =	sshll.u32 s26, $0x1;
	_ =	strace $0x80000046;
	[dreg:$0x1] =	wrdreg $0xFFFFFFFF  }
0xad: {  	s28 =	simm.s32 $_size_execute0_lowered;
	s4 =	sadd.s32 s4, s6;
	[dreg:$0x0] =	wrdreg $0x0  }
0xae: {  	s6 =	sshll.u32 s28, $0x1;
	[dreg:$0x2] =	wrdreg s4  }
0xaf: {  	[dreg:$0x3] =	wrdreg s6  }
0xb0: {  	[dreg:$0x4] =	wrdreg $0xC0  }
0xb1: {  	_ =	task [dreg:s8], $0x5FFFF  }
0xb2: {  	[dreg:$0x1] =	wrdreg $0xFFFFFFFF  }
0xb3: {  	[dreg:$0x0] =	wrdreg $0x60  }
0xb4: {  	[dreg:$0x2] =	wrdreg s15  }
0xb5: {  	[dreg:$0x3] =	wrdreg s24  }
0xb6: {  	[dreg:$0x4] =	wrdreg s16  }
0xb7: {  	[dreg:$0x5] =	wrdreg $0x9  }
0xb8: {  	_ =	task.clear_ibuf [dreg:s8], $0x6FFFF;
	_ =	strace $0x90000046  }
0xb9: {  	s29 =	simm.s32 $0x9;
	_ =	strace $0x80000048  }
0xba: {  	_ =	swait.ge [sflag:s29], $0x1  }
0xbb: {  	[sflag:s29] =	ssyncadd.s32 $0xFFFFFFFF  }
0xbc: {  	_ =	strace $0x90000048  }
0xbd: {  	_ =	sfence  }
0xbe: {  	s30 =	sld [smem:$0x0];
	_ =	sdelay $0x2  }
0xbf: {  	s31 =	sshll.u32 s1, $0xD;
	s1 =	sshrl.u32 s1, $0x2  }
0xc0: {  	s3 =	sand.u32 $0x4000, s31;
	s1 =	sadd.s32 s1, s30  }
0xc1: {  	s0 =	sor.u32 s3, s0;
	s1 =	sshll.u32 s1, $0x11  }
0xc2: {  	s0 =	sor.u32 s1, s0  }
0xc3: {  	s0 =	sadd.s32 $0x8F2B, s0  }
0xc4: {  	[sflag:s0] =	ssyncadd.remote.s32 $0x1  }
0xc5: {  	_ =	sfence.sel $0xFFFF  }
0xc6: {  	[dreg:$0x0] =	wrdreg $0xFFFFFFFF;
	(pc) =	sbr.abs _section_cstart, $3  }
0xc7: {  	[dreg:$0x1] =	wrdreg $0xFFFFFFFF  }
0xc8: {  	_ =	task.clear_ibuf [dreg:s8], $0x2FFFF;
	_ =	strace $0x9FFFFFFF  }
0xc9: {  	(tm) =	ssettm $0x7FFFFFFF  }
tec
execute0_lowered:
.L_overlay_start_1:
0x0: {  	(tag) =	ssettag $0x1  }
0x1: {  	s1 =	rddreg [dreg:$0x0]  }
0x2: {  	s0 =	rddreg [dreg:$0x1]  }
0x3: {  	s3 =	rddreg [dreg:$0x2]  }
0x4: {  	s5 =	srdreg.scid;
	s2 =	stileid.u32;
	s4 =	simm.s32 $0x0  }
0x5: {  	s17 =	simm.s32 $0x100;
	s18 =	simm.s32 $0x180;
	s19 =	simm.s32 $0x200  }
0x6: {  	s20 =	simm.s32 $0x4200;
	s21 =	simm.s32 $0x8200;
	s22 =	simm.s32 $0xC200  }
0x7: {  	s23 =	simm.s32 $0x1;
	s24 =	simm.s32 $0x2;
	s28 =	simm.s32 $0x0  }
0x8: {  	s11 =	sand.u32 $0x1, s5;
	s25 =	sshll.u32 s2, $0x1;
	s13 =	smul.u32 $0x4E200, s2  }
0x9: {  	[smem:$0x7FF] =	sst s4;
	s12 =	sadd.s32 $0xC600, s0;
	s14 =	smul.u32 $0x4E20, s2  }
0xa: {  	s5 =	sor.u32 s11, s25;
	_ =	strace $0x80000047;
	s15 =	smul.u32 $0x2710, s11  }
0xb: {  	s7 =	ssub.s32 $0x2, s11;
	s16 =	smul.u32 $0x27100, s11;
	s25 =	simm.s32 $0x3  }
0xc: {  	s6 =	smul.u32 $0x2710, s5;
	s5 =	sadd.s32 $0x2800, s0;
	s8 =	sshrl.u32 s7, $0x1  }
0xd: {  	s0 =	sadd.s32 $0x4EE600, s0;
	s29 =	sadd.s32 s13, s12;
	s10 =	ssub.s32 s7, s8  }
0xe: {  	s30 =	sadd.s32 s15, s14;
	s11 =	sadd.s32 s16, s29;
	s15 =	simm.s32 $0x4  }
0xf: {  	s9 =	sadd.s32 $0x2700, s6;
	s10 =	smax.u32 s10, $0x1;
	s31 =	sadd.s32 $0x80, s30  }
0x10: {  	s26 =	sshrl.u32 s9, $0x3;
	s9 =	sshll.u32 s9, $0x4;
	s14 =	sshrl.u32 s31, $0x3  }
0x11: {  	s6 =	sadd.s32 s5, s26;
	s7 =	sadd.s32 s3, s26;
	s8 =	sadd.s32 s12, s9  }
0x12: {  	s9 =	sadd.s32 s0, s9;
	s0 =	sadd.s32 s13, s0;
	s13 =	sshrl.u32 s30, $0x3  }
0x13: {  	s26 =	simm.s32 $0x10;
	s12 =	sadd.s32 s16, s0;
	s16 =	simm.s32 $0x80  }
.LBB2_1:
0x14: {  	s0 =	sadd.s32 s5, s13  }
0x15: {  	[tilespmem:s4], [sflag:$0x4] =	stream.linear.gather [hbm4b:s0+s4], $0x80, $0x38;
	[tilespmem:$0x10200] =	vst v63  }
0x16: {  	_ =	swait.ge [sflag:s15], $0x80  }
0x17: {  	[sflag:s15] =	ssyncset.done $0x0  }
0x18: {  	s2 =	sadd.s32 s3, s13;
	[sflag:s15] =	ssyncadd.s32 $0xFFFFFF80  }
0x19: {  	[tilespmem:s16], [sflag:$0x4] =	stream.linear.gather [hbm4b:s2+s4], $0x80, $0x38;
	[tilespmem:$0x10200] =	vst v63  }
0x1a: {  	_ =	swait.ge [sflag:s15], $0x80  }
0x1b: {  	[sflag:s15] =	ssyncset.done $0x0  }
0x1c: {  	s2 =	sadd.s32 s5, s14;
	[sflag:s15] =	ssyncadd.s32 $0xFFFFFF80  }
0x1d: {  	[tilespmem:s17], [sflag:$0x4] =	stream.linear.gather [hbm4b:s2+s4], $0x80, $0x38;
	[tilespmem:$0x10200] =	vst v63  }
0x1e: {  	_ =	swait.ge [sflag:s15], $0x80  }
0x1f: {  	[sflag:s15] =	ssyncset.done $0x0  }
0x20: {  	s2 =	sadd.s32 s3, s14;
	[sflag:s15] =	ssyncadd.s32 $0xFFFFFF80  }
0x21: {  	[tilespmem:s18], [sflag:$0x4] =	stream.linear.gather [hbm4b:s2+s4], $0x80, $0x38;
	[tilespmem:$0x10200] =	vst v63  }
0x22: {  	_ =	swait.ge [sflag:s15], $0x80  }
0x23: {  	p0 =	por $0x1, $0x1;
	[sflag:s15] =	ssyncset.done $0x0  }
0x24: {  	s0 =	simm.s32 @!p0 $0x3;
	[sflag:s15] =	ssyncadd.s32 $0xFFFFFF80  }
0x25: {  	_ =	swait.ge @!p0 [sflag:s0], $0x4000  }
0x26: {  	[sflag:s0] =	ssyncset.done @!p0 $0x0  }
0x27: {  	[sflag:s0] =	ssyncadd.s32 @!p0 $0xFFFFC000  }
0x28: {  	_ =	swait.ge @!p0 [sflag:s0], $0x4000  }
0x29: {  	[sflag:s0] =	ssyncset.done @!p0 $0x0  }
0x2a: {  	[sflag:s0] =	ssyncadd.s32 @!p0 $0xFFFFC000  }
0x2b: {  	_ =	swait.ge @!p0 [sflag:s0], $0x4000  }
0x2c: {  	[sflag:s0] =	ssyncset.done @!p0 $0x0  }
0x2d: {  	[sflag:s0] =	ssyncadd.s32 @!p0 $0xFFFFC000  }
0x2e: {  	_ =	swait.ge @!p0 [sflag:s0], $0x4000  }
0x2f: {  	[sflag:s0] =	ssyncset.done @!p0 $0x0  }
0x30: {  	[sflag:s0] =	ssyncadd.s32 @!p0 $0xFFFFC000  }
0x31: {  	[tilespmem:s19], [sflag:$0x1] =	stream.indirect.gather [hbm4b:s1+s16], $0x80, s4, s16, $0xb8;
	[tilespmem:$0x10200] =	vst v63  }
0x32: {  	_ = 	snop  }
0x33: {  	[tilespmem:s20], [sflag:$0x1] =	stream.indirect.gather [hbm4b:s1+s16], $0x80, s16, s16, $0xb8;
	[tilespmem:$0x10200] =	vst v63  }
0x34: {  	_ = 	snop  }
0x35: {  	[tilespmem:s21], [sflag:$0x2] =	stream.indirect.gather [hbm4b:s1+s16], $0x80, s17, s16, $0xb8;
	[tilespmem:$0x10200] =	vst v63  }
0x36: {  	_ = 	snop  }
0x37: {  	[tilespmem:s22], [sflag:$0x2] =	stream.indirect.gather [hbm4b:s1+s16], $0x80, s18, s16, $0xb8;
	[tilespmem:$0x10200] =	vst v63  }
0x38: {  	_ =	swait.ge [sflag:s23], $0x4000  }
0x39: {  	[sflag:s23] =	ssyncset.done $0x0  }
0x3a: {  	[sflag:s23] =	ssyncadd.s32 $0xFFFFC000  }
0x3b: {  	_ =	swait.ge [sflag:s23], $0x4000  }
0x3c: {  	[sflag:s23] =	ssyncset.done $0x0  }
0x3d: {  	s2 =	sadd.s32 $0x0, s11;
	[sflag:s23] =	ssyncadd.s32 $0xFFFFC000  }
0x3e: {  	[hbm4b:s2+s4] =	stream.linear.scatter [tilespmem:s19], [sflag:$0x3], $0x4000, $0x38;
	[tilespmem:$0x10200] =	vst v63  }
0x3f: {  	s30 =	sadd.s32 $0x0, s12  }
0x40: {  	[hbm4b:s30+s4] =	stream.linear.scatter [tilespmem:s20], [sflag:$0x3], $0x4000, $0x38;
	[tilespmem:$0x10200] =	vst v63  }
0x41: {  	_ =	swait.ge [sflag:s24], $0x4000  }
0x42: {  	[sflag:s24] =	ssyncset.done $0x0  }
0x43: {  	[sflag:s24] =	ssyncadd.s32 $0xFFFFC000  }
0x44: {  	_ =	swait.ge [sflag:s24], $0x4000  }
0x45: {  	[sflag:s24] =	ssyncset.done $0x0  }
0x46: {  	s29 =	simm.s32 $0x1000;
	s0 =	sadd.s32 $0x800, s2;
	[sflag:s24] =	ssyncadd.s32 $0xFFFFC000  }
0x47: {  	[hbm4b:s0+s4] =	stream.linear.scatter [tilespmem:s21], [sflag:$0x3], $0x4000, $0x38;
	[tilespmem:$0x10200] =	vst v63  }
0x48: {  	s31 =	sadd.s32 $0x20, s5;
	s0 =	sadd.s32 $0x800, s30;
	s30 =	sadd.s32 $0x20, s3  }
.LBB2_2:
0x49: {  	[hbm4b:s0+s4] =	stream.linear.scatter [tilespmem:s22], [sflag:$0x3], $0x4000, $0x38;
	[tilespmem:$0x10200] =	vst v63  }
0x4a: {  	s2 =	sadd.s32 s31, s13;
	s0 =	smov.u32 s29;
	s29 =	sadd.s32 $0x1000, s29  }
0x4b: {  	[tilespmem:s4], [sflag:$0x4] =	stream.linear.gather [hbm4b:s2+s4], $0x80, $0x38;
	[tilespmem:$0x10200] =	vst v63  }
0x4c: {  	p0 =	sne.s32 s29, $0x27000;
	_ =	swait.ge [sflag:s15], $0x80  }
0x4d: {  	[sflag:s15] =	ssyncset.done $0x0  }
0x4e: {  	s2 =	sadd.s32 s30, s13;
	[sflag:s15] =	ssyncadd.s32 $0xFFFFFF80  }
0x4f: {  	[tilespmem:s16], [sflag:$0x4] =	stream.linear.gather [hbm4b:s2+s4], $0x80, $0x38;
	[tilespmem:$0x10200] =	vst v63  }
0x50: {  	_ =	swait.ge [sflag:s15], $0x80  }
0x51: {  	[sflag:s15] =	ssyncset.done $0x0  }
0x52: {  	s2 =	sadd.s32 s31, s14;
	[sflag:s15] =	ssyncadd.s32 $0xFFFFFF80  }
0x53: {  	[tilespmem:s17], [sflag:$0x4] =	stream.linear.gather [hbm4b:s2+s4], $0x80, $0x38;
	[tilespmem:$0x10200] =	vst v63  }
0x54: {  	_ =	swait.ge [sflag:s15], $0x80  }
0x55: {  	[sflag:s15] =	ssyncset.done $0x0  }
0x56: {  	s2 =	sadd.s32 s30, s14;
	[sflag:s15] =	ssyncadd.s32 $0xFFFFFF80  }
0x57: {  	[tilespmem:s18], [sflag:$0x4] =	stream.linear.gather [hbm4b:s2+s4], $0x80, $0x38;
	[tilespmem:$0x10200] =	vst v63  }
0x58: {  	_ =	swait.ge [sflag:s15], $0x80  }
0x59: {  	p1 =	seq.s32 s0, $0x0;
	[sflag:s15] =	ssyncset.done $0x0  }
0x5a: {  	s2 =	simm.s32 @!p1 $0x3;
	[sflag:s15] =	ssyncadd.s32 $0xFFFFFF80  }
0x5b: {  	_ =	swait.ge @!p1 [sflag:s2], $0x4000  }
0x5c: {  	[sflag:s2] =	ssyncset.done @!p1 $0x0  }
0x5d: {  	[sflag:s2] =	ssyncadd.s32 @!p1 $0xFFFFC000  }
0x5e: {  	_ =	swait.ge @!p1 [sflag:s2], $0x4000  }
0x5f: {  	[sflag:s2] =	ssyncset.done @!p1 $0x0  }
0x60: {  	[sflag:s2] =	ssyncadd.s32 @!p1 $0xFFFFC000  }
0x61: {  	_ =	swait.ge @!p1 [sflag:s2], $0x4000  }
0x62: {  	[sflag:s2] =	ssyncset.done @!p1 $0x0  }
0x63: {  	[sflag:s2] =	ssyncadd.s32 @!p1 $0xFFFFC000  }
0x64: {  	_ =	swait.ge @!p1 [sflag:s2], $0x4000  }
0x65: {  	[sflag:s2] =	ssyncset.done @!p1 $0x0  }
0x66: {  	[sflag:s2] =	ssyncadd.s32 @!p1 $0xFFFFC000  }
0x67: {  	[tilespmem:s19], [sflag:$0x1] =	stream.indirect.gather [hbm4b:s1+s16], $0x80, s4, s16, $0xb8;
	[tilespmem:$0x10200] =	vst v63  }
0x68: {  	_ = 	snop  }
0x69: {  	[tilespmem:s20], [sflag:$0x1] =	stream.indirect.gather [hbm4b:s1+s16], $0x80, s16, s16, $0xb8;
	[tilespmem:$0x10200] =	vst v63  }
0x6a: {  	_ = 	snop  }
0x6b: {  	[tilespmem:s21], [sflag:$0x2] =	stream.indirect.gather [hbm4b:s1+s16], $0x80, s17, s16, $0xb8;
	[tilespmem:$0x10200] =	vst v63  }
0x6c: {  	_ = 	snop  }
0x6d: {  	[tilespmem:s22], [sflag:$0x2] =	stream.indirect.gather [hbm4b:s1+s16], $0x80, s18, s16, $0xb8;
	[tilespmem:$0x10200] =	vst v63  }
0x6e: {  	_ =	swait.ge [sflag:s23], $0x4000  }
0x6f: {  	[sflag:s23] =	ssyncset.done $0x0  }
0x70: {  	[sflag:s23] =	ssyncadd.s32 $0xFFFFC000  }
0x71: {  	_ =	swait.ge [sflag:s23], $0x4000  }
0x72: {  	[sflag:s23] =	ssyncset.done $0x0  }
0x73: {  	s2 =	sadd.s32 s0, s11;
	[sflag:s23] =	ssyncadd.s32 $0xFFFFC000  }
0x74: {  	[hbm4b:s2+s4] =	stream.linear.scatter [tilespmem:s19], [sflag:$0x3], $0x4000, $0x38;
	[tilespmem:$0x10200] =	vst v63  }
0x75: {  	s0 =	sadd.s32 s0, s12  }
0x76: {  	[hbm4b:s0+s4] =	stream.linear.scatter [tilespmem:s20], [sflag:$0x3], $0x4000, $0x38;
	[tilespmem:$0x10200] =	vst v63  }
0x77: {  	_ =	swait.ge [sflag:s24], $0x4000  }
0x78: {  	[sflag:s24] =	ssyncset.done $0x0  }
0x79: {  	[sflag:s24] =	ssyncadd.s32 $0xFFFFC000  }
.Ltmp0:
0x7a: {  	_ =	swait.ge [sflag:s24], $0x4000;
	(pc) =	sbr.rel @p0 .LBB2_2-.Ltmp0, $4  }
0x7b: {  	[sflag:s24] =	ssyncset.done $0x0  }
0x7c: {  	s2 =	sadd.s32 $0x800, s2;
	[sflag:s24] =	ssyncadd.s32 $0xFFFFC000  }
0x7d: {  	[hbm4b:s2+s4] =	stream.linear.scatter [tilespmem:s21], [sflag:$0x3], $0x4000, $0x38;
	[tilespmem:$0x10200] =	vst v63  }
0x7e: {  	s31 =	sadd.s32 $0x20, s31;
	s30 =	sadd.s32 $0x20, s30;
	s0 =	sadd.s32 $0x800, s0  }
0x7f: {  	[hbm4b:s0+s4] =	stream.linear.scatter [tilespmem:s22], [sflag:$0x3], $0x4000, $0x38;
	[tilespmem:$0x10200] =	vst v63  }
0x80: {  	_ =	swait.ge [sflag:s25], $0x4000  }
0x81: {  	[sflag:s25] =	ssyncset.done $0x0  }
0x82: {  	[sflag:s25] =	ssyncadd.s32 $0xFFFFC000  }
0x83: {  	_ =	swait.ge [sflag:s25], $0x4000  }
0x84: {  	[sflag:s25] =	ssyncset.done $0x0  }
0x85: {  	[sflag:s25] =	ssyncadd.s32 $0xFFFFC000  }
0x86: {  	_ =	swait.ge [sflag:s25], $0x4000  }
0x87: {  	[sflag:s25] =	ssyncset.done $0x0  }
0x88: {  	[sflag:s25] =	ssyncadd.s32 $0xFFFFC000  }
0x89: {  	_ =	swait.ge [sflag:s25], $0x4000  }
0x8a: {  	[sflag:s25] =	ssyncset.done $0x0  }
0x8b: {  	[sflag:s25] =	ssyncadd.s32 $0xFFFFC000  }
0x8c: {  	[tilespmem:s4], [sflag:$0x4] =	stream.linear.gather [hbm4b:s6+s4], $0x10, $0x38;
	[tilespmem:$0x10200] =	vst v63  }
0x8d: {  	_ =	swait.ge [sflag:s15], $0x10  }
0x8e: {  	[sflag:s15] =	ssyncset.done $0x0  }
0x8f: {  	[sflag:s15] =	ssyncadd.s32 $0xFFFFFFF0  }
0x90: {  	[tilespmem:s16], [sflag:$0x4] =	stream.linear.gather [hbm4b:s7+s4], $0x10, $0x38;
	[tilespmem:$0x10200] =	vst v63  }
0x91: {  	_ =	swait.ge [sflag:s15], $0x10  }
0x92: {  	[sflag:s15] =	ssyncset.done $0x0  }
0x93: {  	[sflag:s15] =	ssyncadd.s32 $0xFFFFFFF0  }
0x94: {  	[tilespmem:s19], [sflag:$0x1] =	stream.indirect.gather [hbm4b:s1+s26], $0x80, s4, s26, $0xb8;
	[tilespmem:$0x10200] =	vst v63  }
0x95: {  	_ = 	snop  }
0x96: {  	[tilespmem:s20], [sflag:$0x2] =	stream.indirect.gather [hbm4b:s1+s26], $0x80, s16, s26, $0xb8;
	[tilespmem:$0x10200] =	vst v63  }
0x97: {  	_ =	swait.ge [sflag:s23], $0x800  }
0x98: {  	[sflag:s23] =	ssyncset.done $0x0  }
0x99: {  	[sflag:s23] =	ssyncadd.s32 $0xFFFFF800  }
0x9a: {  	_ =	swait.ge [sflag:s24], $0x800  }
0x9b: {  	[sflag:s24] =	ssyncset.done $0x0  }
0x9c: {  	[sflag:s24] =	ssyncadd.s32 $0xFFFFF800  }
0x9d: {  	[hbm4b:s8+s4] =	stream.linear.scatter [tilespmem:s19], [sflag:$0x4], $0x800, $0x38;
	[tilespmem:$0x10200] =	vst v63  }
0x9e: {  	s28 =	sadd.s32 $0x1, s28;
	_ =	swait.ge [sflag:s15], $0x800  }
0x9f: {  	p0 =	sne.s32 s28, s10;
	[sflag:s15] =	ssyncset.done $0x0  }
.Ltmp1:
0xa0: {  	[sflag:s15] =	ssyncadd.s32 $0xFFFFF800;
	(pc) =	sbr.rel @p0 .LBB2_1-.Ltmp1, $4  }
0xa1: {  	[hbm4b:s9+s4] =	stream.linear.scatter [tilespmem:s20], [sflag:$0x4], $0x800, $0x38;
	[tilespmem:$0x10200] =	vst v63  }
0xa2: {  	_ =	swait.ge [sflag:s15], $0x800  }
0xa3: {  	[sflag:s15] =	ssyncset.done $0x0  }
0xa4: {  	[sflag:s15] =	ssyncadd.s32 $0xFFFFF800  }
0xa5: {  	_ =	sfence.sel $0x180000  }
0xa6: {  	[bflag:$0x0] =	sbarrier.arrive $0xFFFF  }
0xa7: {  	_ =	strace $0x90000047  }
0xa8: {  	s0 =	stileid.u32;
	[bflag:$0x2] =	sbarrier.arrive $0xFFFF  }
0xa9: {  	p0 =	sne.s32 s0, $0x0;
	s0 =	rddreg [dreg:$0x3]  }
0xaa: {  	s0 =	sadd.s32 @!p0 $0x100000, s0  }
0xab: {  	[sflag:s0] =	ssyncadd.tile.s32 @!p0 $0x1;
	_ =	shalt  }
.Lfunc_end2:
_tile_overlayer_lowered:
.L_overlay_start_2:
0xac: {  	(tag) =	ssettag $0x2  }
0xad: {  	s0 =	rddreg [dreg:$0x0];
	s2 =	stileid.u32  }
0xae: {  	s1 =	rddreg [dreg:$0x1];
	p0 =	sne.s32 s2, $0x0  }
0xaf: {  	s3 =	rddreg [dreg:$0x2];
	[bflag:$0x3] =	sbarrier.arrive $0xFFFF;
	s2 =	simm.s32 @!p0 $0x1C04  }
0xb0: {  	[timem:s3], [sflag:s2] =	dma.local @!p0 [hbm:s0], s1  }
0xb1: {  	s0 =	simm.s32 @!p0 $0x4  }
0xb2: {  	_ =	swait.ge @!p0 [sflag:s0], s1  }
0xb3: {  	s1 =	ssub.s32 @!p0 $0x0, s1;
	[sflag:s0] =	ssyncset.done @!p0 $0x0  }
0xb4: {  	[sflag:s0] =	ssyncadd.s32 @!p0 s1  }
0xb5: {  	[bflag:$0x3] =	sbarrier.arrive $0xFFFF  }
0xb6: {  	_ =	shalt  }

// kernel: kernel.9.cloned.1.call-start
scs
__scs_entry_jumppad:
0x0: {  	(pc) =	sbr.rel $0x88, $3  }
0x1: {  	(tag) =	ssettag $0x0;
	lr =	simm.s32 $0x1  }
0x2: {  	[smem:$0x3F93] =	sst lr;
	_ =	strace $0xD0000000  }
0x3: {  	_ = 	snop  }
0x4: {  	_ = 	snop  }
0x5: {  	_ = 	snop  }
0x6: {  	_ = 	snop  }
0x7: {  	_ = 	snop  }
__scs_overlays_trampoline_lowered:
0x8: {  	[smem:$0x3FA2] =	sst s0  }
0x9: {  	[smem:$0x3FA3] =	sst s1  }
0xa: {  	[smem:$0x3FA4] =	sst s2  }
0xb: {  	[smem:$0x3FA5] =	sst s3  }
0xc: {  	[smem:$0x3FA6] =	sst s4  }
0xd: {  	[smem:$0x3FA7] =	sst s5  }
0xe: {  	[smem:$0x3FA8] =	sst s6  }
0xf: {  	[smem:$0x3FA9] =	sst s7  }
0x10: {  	[smem:$0x3FAA] =	sst s8  }
0x11: {  	[smem:$0x3FAB] =	sst s9;
	s0 =	simm.s32 @!p0 $0x0  }
0x12: {  	s1 =	sld [smem:$0x3F91];
	s0 =	simm.s32 @p0 $0x1  }
0x13: {  	[smem:$0x3FAC] =	sst s0;
	s0 =	simm.s32 @!p1 $0x0  }
0x14: {  	s2 =	sld [smem:$0x3F90];
	s0 =	simm.s32 @p1 $0x1  }
0x15: {  	[smem:$0x3FAD] =	sst s0;
	s0 =	simm.s32 @!p2 $0x0  }
0x16: {  	s3 =	sld [smem:$0x3FDB];
	s0 =	simm.s32 @p2 $0x1  }
0x17: {  	s4 =	simm.s32 $0x1BF5;
	[smem:$0x3FAF] =	sst s0  }
0x18: {  	s0 =	sld [smem:$0x3F92];
	_ =	swait.ge [sflag:s4], $0x0  }
0x19: {  	s7 =	sld [smem:$0x3F93]  }
0x1a: {  	s8 =	sadd.s32 $0xFFFFE003, lr  }
0x1b: {  	s9 =	sadd.s32 $0xFFFFFEF7, lr;
	s5 =	simm.s32 $0xFFFFFFFF;
	p2 =	slt.u32 s8, $0xFFFFF086  }
0x1c: {  	p1 =	slt.u32 s9, $0xF7A;
	s5 =	simm.s32 @!p2 $0x0  }
0x1d: {  	s5 =	simm.s32 @p1 $0x1;
	p0 =	seq.s32 s7, s2  }
0x1e: {  	s7 =	smul.u32 @!p0 $0xF7A, s2;
	p2 =	seq.s32 @!p0 s5, $0x0  }
0x1f: {  	s9 =	smul.u32 $0xF7A, s1;
	s8 =	simm.s32 @!p0 $0x1BF5;
	p2 =	por !p2, p0  }
0x20: {  	[sflag:s8] =	ssyncset.s32 @!p0 $0xFFFFF086;
	s6 =	sadd.s32 @!p0 s3, s7;
	s7 =	simm.s32 @!p0 $0x108  }
0x21: {  	s3 =	sadd.s32 s3, s9;
	s6 =	sadd.s32 @!p0 $0x88, s6;
	s7 =	simm.s32 @p2 $0x1082  }
0x22: {  	[simem:s7], [sflag:s8] =	dma.local @!p0 [hbm:s6], $0xF7A  }
0x23: {  	s9 =	sor.u32 $0xD0000000, s2;
	s6 =	simm.s32 $0x108;
	_ =	swait.ge @!p0 [sflag:s8], $0x0  }
0x24: {  	s3 =	sadd.s32 $0x88, s3;
	s6 =	simm.s32 @!p1 $0x1082;
	[sflag:s4] =	ssyncset.s32 $0xFFFFF086  }
0x25: {  	[simem:s6], [sflag:s4] =	dma.local [hbm:s3], $0xF7A  }
0x26: {  	[smem:$0x3F93] =	sst s1;
	(tag) =	ssettag s2;
	_ =	strace s9  }
0x27: {  	s1 =	sld [smem:$0x3FA3]  }
0x28: {  	s2 =	sld [smem:$0x3FA4]  }
0x29: {  	s4 =	sld [smem:$0x3FA6]  }
0x2a: {  	p0 =	seq.s32 s5, $0x0;
	s5 =	sld [smem:$0x3FA7]  }
0x2b: {  	s6 =	sld [smem:$0x3FA8]  }
0x2c: {  	s7 =	sld [smem:$0x3FA9]  }
0x2d: {  	s3 =	simm.s32 $0x108;
	s8 =	sld [smem:$0x3FAA]  }
0x2e: {  	s3 =	simm.s32 @!p0 $0x1082;
	s9 =	sld [smem:$0x3FAB]  }
0x2f: {  	lr =	sadd.s32 s0, s3;
	s0 =	sld [smem:$0x3FA2]  }
0x30: {  	s3 =	sld [smem:$0x3FA5]  }
0x31: {  	[smem:$0x3FAE] =	sst s10  }
0x32: {  	s10 =	sld [smem:$0x3FAC];
	_ =	sdelay $0x3  }
0x33: {  	p0 =	seq.s32 s10, $0x1;
	s10 =	sld [smem:$0x3FAE];
	_ =	sdelay $0x3  }
0x34: {  	[smem:$0x3FAE] =	sst s10  }
0x35: {  	s10 =	sld [smem:$0x3FAD];
	_ =	sdelay $0x3  }
0x36: {  	p1 =	seq.s32 s10, $0x1;
	s10 =	sld [smem:$0x3FAE];
	_ =	sdelay $0x3  }
0x37: {  	[smem:$0x3FAE] =	sst s10  }
0x38: {  	s10 =	sld [smem:$0x3FAF]  }
0x39: {  	_ = 	snop;
	(pc) =	sbr.ind lr, $3  }
0x3a: {  	_ = 	snop  }
0x3b: {  	_ = 	snop  }
0x3c: {  	p2 =	seq.s32 s10, $0x1;
	s10 =	sld [smem:$0x3FAE]  }
0x3d: {  	_ =	shalt  }
0x3e: {  	_ =	shalt  }
0x3f: {  	_ =	shalt  }
0x40: {  	_ =	shalt  }
0x41: {  	_ =	shalt  }
0x42: {  	_ =	shalt  }
0x43: {  	_ =	shalt  }
0x44: {  	_ =	shalt  }
0x45: {  	_ =	shalt  }
0x46: {  	_ =	shalt  }
0x47: {  	_ =	shalt  }
0x48: {  	_ =	shalt  }
0x49: {  	_ =	shalt  }
0x4a: {  	_ =	shalt  }
0x4b: {  	_ =	shalt  }
0x4c: {  	_ =	shalt  }
0x4d: {  	_ =	shalt  }
0x4e: {  	_ =	shalt  }
0x4f: {  	_ =	shalt  }
0x50: {  	_ =	shalt  }
0x51: {  	_ =	shalt  }
0x52: {  	_ =	shalt  }
0x53: {  	_ =	shalt  }
0x54: {  	_ =	shalt  }
0x55: {  	_ =	shalt  }
0x56: {  	_ =	shalt  }
0x57: {  	_ =	shalt  }
0x58: {  	_ =	shalt  }
0x59: {  	_ =	shalt  }
0x5a: {  	_ =	shalt  }
0x5b: {  	_ =	shalt  }
0x5c: {  	_ =	shalt  }
0x5d: {  	_ =	shalt  }
0x5e: {  	_ =	shalt  }
0x5f: {  	_ =	shalt  }
0x60: {  	_ =	shalt  }
0x61: {  	_ =	shalt  }
0x62: {  	_ =	shalt  }
0x63: {  	_ =	shalt  }
0x64: {  	_ =	shalt  }
0x65: {  	_ =	shalt  }
0x66: {  	_ =	shalt  }
0x67: {  	_ =	shalt  }
0x68: {  	_ =	shalt  }
0x69: {  	_ =	shalt  }
0x6a: {  	_ =	shalt  }
0x6b: {  	_ =	shalt  }
0x6c: {  	_ =	shalt  }
0x6d: {  	_ =	shalt  }
0x6e: {  	_ =	shalt  }
0x6f: {  	_ =	shalt  }
0x70: {  	_ =	shalt  }
0x71: {  	_ =	shalt  }
0x72: {  	_ =	shalt  }
0x73: {  	_ =	shalt  }
0x74: {  	_ =	shalt  }
0x75: {  	_ =	shalt  }
0x76: {  	_ =	shalt  }
0x77: {  	_ =	shalt  }
0x78: {  	_ =	shalt  }
0x79: {  	_ =	shalt  }
0x7a: {  	_ =	shalt  }
0x7b: {  	_ =	shalt  }
0x7c: {  	_ =	shalt  }
0x7d: {  	_ =	shalt  }
0x7e: {  	_ =	shalt  }
0x7f: {  	_ =	shalt  }
0x80: {  	_ =	shalt  }
0x81: {  	_ =	shalt  }
0x82: {  	_ =	shalt  }
0x83: {  	_ =	shalt  }
0x84: {  	_ =	shalt  }
0x85: {  	_ =	shalt  }
0x86: {  	_ =	shalt  }
0x87: {  	_ =	shalt  }
.Lfunc_end0:
.L_simem_size_0:
called_computation.1_lowered:
.L_overlay_start_0:
0x88: {  	s2 =	sld [smem:$0x3FD9]  }
0x89: {  	s3 =	sld [smem:$0x3FFE];
	_ =	sdelay $0x1  }
0x8a: {  	s1 =	srdreg.scid  }
0x8b: {  	s0 =	sand.u32 $0x1, s1  }
0x8c: {  	s14 =	sshll.u32 s0, $0xA;
	s2 =	sadd.s32 s3, s2  }
0x8d: {  	s2 =	sadd.s32 s2, s14  }
0x8e: {  	[smem:$0x3FBA] =	sst s2  }
0x8f: {  	_ = 	snop  }
0x90: {  	s2 =	sld [smem:$0x3FD0];
	_ =	sdelay $0x2  }
0x91: {  	s15 =	simm.s32 $0xA;
	s4 =	simm.s32 $0x10  }
0x92: {  	[smem:s4], [sflag:s15] =	dma.local [hbm:s2], $0x1  }
0x93: {  	_ =	swait.eq [sflag:s15], $0x1  }
0x94: {  	[sflag:s15] =	ssyncset.done $0x0  }
0x95: {  	[sflag:s15] =	ssyncadd.s32 $0xFFFFFFFF  }
0x96: {  	s16 =	sld [smem:$0x11];
	(tm) =	ssettm $0x1  }
0x97: {  	s17 =	sld [smem:$0x3FFB];
	_ =	sdelay $0x3  }
0x98: {  	_ =	strace s17  }
0x99: {  	s3 =	sld [smem:$0x3FFC];
	_ =	sdelay $0x3  }
0x9a: {  	_ =	strace s3  }
0x9b: {  	s3 =	sld [smem:$0x3FFD];
	_ =	sdelay $0x3  }
0x9c: {  	_ =	strace s3  }
0x9d: {  	_ =	strace $0x8FFFFFFF  }
0x9e: {  	s18 =	sld [smem:$0x3FDB];
	_ =	sdelay $0x1  }
0x9f: {  	s19 =	simm.s32 $_scs_section_size  }
0xa0: {  	s5 =	simm.s32 $_size__tile_overlayer_lowered;
	s6 =	simm.s32 $_tile_overlayer_lowered  }
0xa1: {  	s22 =	simm.s32 $0x1BFF;
	s21 =	sshll.u32 s6, $0x1;
	s3 =	sadd.s32 s19, s18  }
0xa2: {  	s7 =	simm.s32 $0x0;
	s20 =	sshll.u32 s5, $0x1;
	s5 =	sadd.s32 s21, s3  }
0xa3: {  	[timem:s7], [sflag:s22] =	dma.local [hbm:s5], s20  }
0xa4: {  	_ =	swait.ge [sflag:s22], s20  }
0xa5: {  	s4 =	ssub.s32 $0x0, s20;
	[sflag:s22] =	ssyncset.done $0x0  }
0xa6: {  	[sflag:s22] =	ssyncadd.s32 s4;
	_ =	sdelay $0x1  }
0xa7: {  	s23 =	simm.s32 $0x1B8B  }
0xa8: {  	_ =	swait.ge [sflag:s23], $0x1  }
0xa9: {  	[sflag:s23] =	ssyncset.done $0x0  }
0xaa: {  	s25 =	simm.s32 $0x1B8E;
	s24 =	sld [smem:$0x3FFE];
	[sflag:s23] =	ssyncadd.s32 $0xFFFFFFFF  }
0xab: {  	s26 =	simm.s32 $execute0_lowered;
	[smem:$0x3FD2] =	sst s25  }
0xac: {  	s5 =	sshll.u32 s26, $0x1;
	_ =	strace $0x80000049;
	[dreg:$0x1] =	wrdreg $0xFFFFFFFF  }
0xad: {  	s28 =	simm.s32 $_size_execute0_lowered;
	s3 =	sadd.s32 s3, s5;
	[dreg:$0x0] =	wrdreg $0x0  }
0xae: {  	s5 =	sshll.u32 s28, $0x1;
	[dreg:$0x2] =	wrdreg s3  }
0xaf: {  	[dreg:$0x3] =	wrdreg s5  }
0xb0: {  	[dreg:$0x4] =	wrdreg $0xC0  }
0xb1: {  	_ =	task [dreg:s7], $0x5FFFF  }
0xb2: {  	[dreg:$0x1] =	wrdreg $0xFFFFFFFF  }
0xb3: {  	[dreg:$0x0] =	wrdreg $0x60  }
0xb4: {  	[dreg:$0x2] =	wrdreg s24  }
0xb5: {  	[dreg:$0x3] =	wrdreg s16  }
0xb6: {  	[dreg:$0x4] =	wrdreg $0x0  }
0xb7: {  	[dreg:$0x5] =	wrdreg $0x9  }
0xb8: {  	_ =	task.clear_ibuf [dreg:s7], $0x6FFFF;
	_ =	strace $0x90000049  }
0xb9: {  	s29 =	simm.s32 $0x9;
	_ =	strace $0x8000004B  }
0xba: {  	_ =	swait.ge [sflag:s29], $0x1  }
0xbb: {  	[sflag:s29] =	ssyncadd.s32 $0xFFFFFFFF  }
0xbc: {  	_ =	strace $0x9000004B  }
0xbd: {  	_ =	sfence  }
0xbe: {  	s30 =	sld [smem:$0x0];
	_ =	sdelay $0x2  }
0xbf: {  	s31 =	sshll.u32 s1, $0xD;
	s1 =	sshrl.u32 s1, $0x2  }
0xc0: {  	s3 =	sand.u32 $0x4000, s31;
	s1 =	sadd.s32 s1, s30  }
0xc1: {  	s0 =	sor.u32 s3, s0;
	s1 =	sshll.u32 s1, $0x11  }
0xc2: {  	s0 =	sor.u32 s1, s0  }
0xc3: {  	s0 =	sadd.s32 $0x8F2B, s0  }
0xc4: {  	[sflag:s0] =	ssyncadd.remote.s32 $0x1  }
0xc5: {  	_ =	sfence.sel $0xFFFF  }
0xc6: {  	[dreg:$0x0] =	wrdreg $0xFFFFFFFF;
	(pc) =	sbr.abs _section_cstart, $3  }
0xc7: {  	[dreg:$0x1] =	wrdreg $0xFFFFFFFF  }
0xc8: {  	_ =	task.clear_ibuf [dreg:s7], $0x2FFFF;
	_ =	strace $0x9FFFFFFF  }
0xc9: {  	(tm) =	ssettm $0x7FFFFFFF  }
tec
execute0_lowered:
.L_overlay_start_1:
0x0: {  	(tag) =	ssettag $0x1  }
0x1: {  	s0 =	rddreg [dreg:$0x0]  }
0x2: {  	s3 =	rddreg [dreg:$0x2];
	s4 =	simm.s32 $0x0;
	s14 =	stileid.u32  }
0x3: {  	s2 =	srdreg.scid;
	s28 =	simm.s32 $0x1A280;
	s29 =	simm.s32 $0x1C280  }
0x4: {  	s30 =	simm.s32 $0x1;
	s31 =	simm.s32 $0x40;
	s1 =	smul.u32 $0x4E20, s14  }
0x5: {  	[smem:$0x7FF] =	sst s4;
	s5 =	sadd.s32 $0x1394600, s0;
	s17 =	smul.u32 $0x50000, s14  }
0x6: {  	s6 =	sadd.s32 $0x2800, s0;
	s2 =	sand.u32 $0x1, s2;
	s18 =	smul.u32 $0x753000, s14  }
0x7: {  	s7 =	sadd.s32 $0xC600, s0;
	s0 =	sadd.s32 $0x33800, s0;
	s22 =	smul.u32 $0x9C4, s14  }
0x8: {  	_ =	strace $0x8000004A;
	s9 =	ssub.s32 $0x2, s2;
	s8 =	sshll.u32 s2, $0xA  }
0x9: {  	s12 =	sshll.u32 s2, $0x4;
	p0 =	seq.s32 s2, $0x1;
	s1 =	sshrl.u32 s1, $0x3  }
0xa: {  	s11 =	sshrl.u32 s9, $0x1;
	s12 =	sor.u32 s14, s12;
	s20 =	sshrl.u32 s17, $0x2  }
0xb: {  	s21 =	sor.u32 s8, s18;
	s7 =	smov.u32 @p0 s0;
	s10 =	smul.u32 $0xC00, s1  }
0xc: {  	s17 =	simm.s32 $0x16900;
	s11 =	ssub.s32 s9, s11;
	s9 =	smul.u32 $0x28, s14  }
0xd: {  	s15 =	sadd.s32 s6, s1;
	s23 =	sadd.s32 s20, s3;
	s24 =	sadd.s32 $0x12000, s21  }
0xe: {  	s25 =	sadd.s32 $0xC000, s21;
	s14 =	simm.s32 $0x5;
	[dreg:$0x4] =	wrdreg s15  }
0xf: {  	s13 =	sadd.s32 $0x9C0, s15;
	s19 =	sadd.s32 $0x8, s15;
	[dreg:$0xb] =	wrdreg s23  }
0x10: {  	[dreg:$0xc] =	wrdreg s25;
	s0 =	sshrl.u32 s24, $0x3;
	s23 =	simm.s32 $0x4  }
0x11: {  	s24 =	simm.s32 $0x1A180;
	s25 =	simm.s32 $0x400;
	s15 =	simm.s32 $0x0  }
0x12: {  	s10 =	sor.u32 s8, s10;
	[dreg:$0x5] =	wrdreg s13;
	s13 =	smul.u32 $0x2710, s12  }
0x13: {  	s12 =	smax.u32 s11, $0x1;
	[dreg:$0x8] =	wrdreg s19;
	s21 =	sadd.s32 s0, s5  }
0x14: {  	s0 =	simm.s32 $0x2;
	s11 =	simm.s32 $0x14100;
	s26 =	sadd.s32 $0x750000, s10  }
0x15: {  	[dreg:$0x7] =	wrdreg s12;
	s16 =	sadd.s32 $0x6000, s10;
	s10 =	sshrl.u32 s10, $0x3  }
0x16: {  	s12 =	simm.s32 $0x19100;
	s1 =	sshrl.u32 s26, $0x3;
	s10 =	sadd.s32 s5, s10  }
.Ltmp0:
0x17: {  	s26 =	sadd.s32 s22, s6;
	s1 =	sadd.s32 s5, s1;
	(pc) =	sbr.rel .LBB2_1-.Ltmp0, $4  }
0x18: {  	s22 =	simm.s32 $0x1A100;
	[dreg:$0x6] =	wrdreg s1;
	s1 =	sshrl.u32 s16, $0x3  }
0x19: {  	[dreg:$0x9] =	wrdreg s10;
	s10 =	simm.s32 $0x50;
	s1 =	sadd.s32 s5, s1  }
0x1a: {  	s16 =	simm.s32 $0x14080;
	[dreg:$0xa] =	wrdreg s1;
	s1 =	sadd.s32 $0x10, s26  }
0x1b: {  	v0 =	vimm.f32 $0.0e+00;
	s26 =	simm.s32 $0xC00;
	[dreg:$0xd] =	wrdreg s1;
	s1 =	simm.s32 $0x3  }
.LBB2_27:
0x1c: {  	s15 =	rddreg [dreg:$0xe]  }
0x1d: {  	s2 =	rddreg [dreg:$0x7];
	s15 =	sadd.s32 $0x1, s15  }
0x1e: {  	p1 =	sne.s32 s15, s2  }
.Ltmp1:
0x1f: {  	_ = 	snop;
	(pc) =	sbr.rel @!p1 .LBB2_28-.Ltmp1, $1  }
0x20: {  	_ =	sdelay $0x3  }
.LBB2_1:
0x21: {  	[dreg:$0xe] =	wrdreg s15;
	s2 =	simm.s32 $0x0;
	s15 =	simm.s32 $0x200  }
.LBB2_2:
0x22: {  	p1 =	sne.s32 s15, $0x1E00;
	[tilespmem:s2+$0x138F0] =	vst v0  }
0x23: {  	[tilespmem:s2+$0x13880] =	vst v0  }
0x24: {  	[tilespmem:s2+$0x13890] =	vst v0  }
.Ltmp2:
0x25: {  	[tilespmem:s2+$0x138A0] =	vst v0;
	(pc) =	sbr.rel @p1 .LBB2_2-.Ltmp2, $4  }
0x26: {  	[tilespmem:s2+$0x138B0] =	vst v0  }
0x27: {  	[tilespmem:s2+$0x138C0] =	vst v0  }
0x28: {  	[tilespmem:s2+$0x138D0] =	vst v0  }
0x29: {  	[tilespmem:s2+$0x138E0] =	vst v0;
	s2 =	sshra.s32 s15, $0x2;
	s15 =	sadd.s32 $0x200, s15  }
0x2a: {  	[tilespmem:s2+$0x138F0] =	vst v0  }
0x2b: {  	[tilespmem:s2+$0x13880] =	vst v0  }
0x2c: {  	[tilespmem:s2+$0x13890] =	vst v0  }
0x2d: {  	[tilespmem:s2+$0x138A0] =	vst v0  }
0x2e: {  	[tilespmem:s2+$0x138B0] =	vst v0  }
0x2f: {  	[tilespmem:s2+$0x138C0] =	vst v0;
	s15 =	sadd.s32 $0x0, s9  }
0x30: {  	[tilespmem:s2+$0x138D0] =	vst v0;
	p1 =	sgt.u32 s15, $0x270  }
0x31: {  	[tilespmem:s2+$0x138E0] =	vst v0;
	s19 =	rddreg [dreg:$0xb];
	s2 =	simm.s32 @!p1 $0x13880;
	s20 =	simm.s32 @!p1 $0x4  }
0x32: {  	[spmem:s19] =	stream.linear.scatter @!p1 [tilespmem:s2], [sflag:$0x4], $0x800, $0x38;
	[tilespmem:$0x1E280] =	vst v63  }
0x33: {  	s18 =	simm.s32 $0x2;
	_ =	swait.ge @!p1 [sflag:s20], $0x800  }
0x34: {  	s15 =	simm.s32 $0x1;
	s2 =	sadd.s32 $0x800, s19;
	[sflag:s20] =	ssyncset.done @!p1 $0x0  }
.LBB2_4:
0x35: {  	s19 =	sadd.s32 s15, s9;
	s15 =	smov.u32 s18;
	s18 =	sadd.s32 $0x1, s18  }
0x36: {  	[sflag:s20] =	ssyncadd.s32 @!p1 $0xFFFFF800;
	p2 =	sne.s32 s18, $0x28  }
.Ltmp3:
0x37: {  	p1 =	sgt.u32 s19, $0x270;
	(pc) =	sbr.rel @p2 .LBB2_4-.Ltmp3, $4  }
0x38: {  	s19 =	simm.s32 @!p1 $0x13880;
	s20 =	simm.s32 @!p1 $0x4  }
0x39: {  	[spmem:s2] =	stream.linear.scatter @!p1 [tilespmem:s19], [sflag:$0x4], $0x800, $0x38;
	[tilespmem:$0x1E280] =	vst v63  }
0x3a: {  	_ =	swait.ge @!p1 [sflag:s20], $0x800  }
0x3b: {  	s2 =	sadd.s32 $0x800, s2;
	[sflag:s20] =	ssyncset.done @!p1 $0x0  }
0x3c: {  	s15 =	sadd.s32 s15, s9  }
0x3d: {  	p2 =	sgt.u32 s15, $0x270  }
0x3e: {  	[sflag:s20] =	ssyncadd.s32 @!p1 $0xFFFFF800;
	s15 =	simm.s32 @!p2 $0x13880;
	s18 =	simm.s32 @!p2 $0x4  }
0x3f: {  	[spmem:s2] =	stream.linear.scatter @!p2 [tilespmem:s15], [sflag:$0x4], $0x800, $0x38;
	[tilespmem:$0x1E280] =	vst v63  }
0x40: {  	_ =	swait.ge @!p2 [sflag:s18], $0x800  }
0x41: {  	[sflag:s18] =	ssyncset.done @!p2 $0x0  }
0x42: {  	[sflag:s18] =	ssyncadd.s32 @!p2 $0xFFFFF800  }
0x43: {  	[bflag:$0x0] =	sbarrier.arrive $0xFFFF  }
0x44: {  	s19 =	simm.s32 $0x0;
	s20 =	rddreg [dreg:$0x4]  }
0x45: {  	[tilespmem:s22], [sflag:$0x4] =	stream.linear.gather [hbm4b:s20+s19], $0x40, $0x38;
	[tilespmem:$0x1E280] =	vst v63  }
0x46: {  	_ =	swait.ge [sflag:s23], $0x40  }
0x47: {  	[sflag:s23] =	ssyncset.done $0x0  }
0x48: {  	s18 =	rddreg [dreg:$0x8];
	[sflag:s23] =	ssyncadd.s32 $0xFFFFFFC0  }
0x49: {  	[tilespmem:s24], [sflag:$0x4] =	stream.linear.gather [hbm4b:s18+s19], $0x40, $0x38;
	[tilespmem:$0x1E280] =	vst v63  }
0x4a: {  	_ =	swait.ge [sflag:s23], $0x40  }
0x4b: {  	[sflag:s23] =	ssyncset.done $0x0  }
0x4c: {  	s19 =	rddreg [dreg:$0x9];
	[sflag:s23] =	ssyncadd.s32 $0xFFFFFFC0  }
0x4d: {  	[tilespmem:s28], [sflag:$0x1] =	stream.strided.gather [hbm4b:s19+s25], $0x2000, s26, s25, $0x38;
	[tilespmem:$0x1E280] =	vst v63  }
0x4e: {  	s20 =	rddreg [dreg:$0xa]  }
0x4f: {  	[tilespmem:s29], [sflag:$0x2] =	stream.strided.gather [hbm4b:s20+s25], $0x2000, s26, s25, $0x38;
	[tilespmem:$0x1E280] =	vst v63  }
0x50: {  	_ =	swait.ge [sflag:s30], $0x2000  }
0x51: {  	[sflag:s30] =	ssyncset.done $0x0  }
0x52: {  	[sflag:s30] =	ssyncadd.s32 $0xFFFFE000  }
0x53: {  	[spmem:s3] =	stream.indirect.scatter.add.f32 [tilespmem:s28], [sflag:$0x3], $0x80, s22, s31, $0xb8;
	[tilespmem:$0x1E280] =	vst v63  }
0x54: {  	_ =	swait.ge [sflag:s0], $0x2000  }
0x55: {  	[sflag:s0] =	ssyncset.done $0x0  }
0x56: {  	[sflag:s0] =	ssyncadd.s32 $0xFFFFE000  }
0x57: {  	[spmem:s3] =	stream.indirect.scatter.add.f32 [tilespmem:s29], [sflag:$0x3], $0x80, s24, s31, $0xb8;
	[tilespmem:$0x1E280] =	vst v63  }
0x58: {  	s19 =	rddreg [dreg:$0xd]  }
0x59: {  	[tilespmem:s22], [sflag:$0x4] =	stream.linear.gather [hbm4b:s19+s4], $0x40, $0x38;
	[tilespmem:$0x1E280] =	vst v63  }
0x5a: {  	_ =	swait.ge [sflag:s23], $0x40  }
0x5b: {  	[sflag:s23] =	ssyncset.done $0x0  }
0x5c: {  	s15 =	sadd.s32 $0x8, s19;
	[sflag:s23] =	ssyncadd.s32 $0xFFFFFFC0  }
0x5d: {  	[tilespmem:s24], [sflag:$0x4] =	stream.linear.gather [hbm4b:s15+s4], $0x40, $0x38;
	[tilespmem:$0x1E280] =	vst v63  }
0x5e: {  	_ =	swait.ge [sflag:s23], $0x40  }
0x5f: {  	[sflag:s23] =	ssyncset.done $0x0  }
0x60: {  	[sflag:s23] =	ssyncadd.s32 $0xFFFFFFC0  }
0x61: {  	_ =	swait.ge [sflag:s1], $0x2000  }
0x62: {  	[sflag:s1] =	ssyncset.done $0x0  }
0x63: {  	[sflag:s1] =	ssyncadd.s32 $0xFFFFE000  }
0x64: {  	_ =	swait.ge [sflag:s1], $0x2000  }
0x65: {  	s15 =	rddreg [dreg:$0xc]  }
0x66: {  	[sflag:s1] =	ssyncset.done $0x0;
	s18 =	sshrl.u32 s15, $0x3  }
0x67: {  	[sflag:s1] =	ssyncadd.s32 $0xFFFFE000;
	s2 =	sadd.s32 s5, s18  }
0x68: {  	[tilespmem:s28], [sflag:$0x1] =	stream.strided.gather [hbm4b:s2+s25], $0x2000, s26, s25, $0x38;
	[tilespmem:$0x1E280] =	vst v63  }
0x69: {  	s20 =	sadd.s32 $0x0, s21  }
0x6a: {  	[tilespmem:s29], [sflag:$0x2] =	stream.strided.gather [hbm4b:s20+s25], $0x2000, s26, s25, $0x38;
	[tilespmem:$0x1E280] =	vst v63  }
0x6b: {  	_ =	swait.ge [sflag:s30], $0x2000  }
0x6c: {  	[sflag:s30] =	ssyncset.done $0x0  }
0x6d: {  	[sflag:s30] =	ssyncadd.s32 $0xFFFFE000  }
0x6e: {  	[spmem:s3] =	stream.indirect.scatter.add.f32 [tilespmem:s28], [sflag:$0x3], $0x80, s22, s31, $0xb8;
	[tilespmem:$0x1E280] =	vst v63  }
0x6f: {  	_ =	swait.ge [sflag:s0], $0x2000  }
0x70: {  	s18 =	sadd.s32 $0xC000, s15;
	[sflag:s0] =	ssyncset.done $0x0  }
0x71: {  	s2 =	simm.s32 $0x1800;
	s20 =	sadd.s32 $0x10, s19;
	[sflag:s0] =	ssyncadd.s32 $0xFFFFE000  }
.LBB2_6:
0x72: {  	[spmem:s3] =	stream.indirect.scatter.add.f32 [tilespmem:s29], [sflag:$0x3], $0x80, s24, s31, $0xb8;
	[tilespmem:$0x1E280] =	vst v63  }
0x73: {  	p1 =	sne.s32 s2, $0xE7000;
	s15 =	smov.u32 s2;
	s2 =	sadd.s32 $0x1800, s2  }
0x74: {  	[tilespmem:s22], [sflag:$0x4] =	stream.linear.gather [hbm4b:s20+s4], $0x40, $0x38;
	[tilespmem:$0x1E280] =	vst v63  }
0x75: {  	_ =	swait.ge [sflag:s23], $0x40  }
0x76: {  	[sflag:s23] =	ssyncset.done $0x0  }
0x77: {  	s19 =	sadd.s32 $0x8, s20;
	[sflag:s23] =	ssyncadd.s32 $0xFFFFFFC0  }
0x78: {  	[tilespmem:s24], [sflag:$0x4] =	stream.linear.gather [hbm4b:s19+s4], $0x40, $0x38;
	[tilespmem:$0x1E280] =	vst v63  }
0x79: {  	_ =	swait.ge [sflag:s23], $0x40  }
0x7a: {  	[sflag:s23] =	ssyncset.done $0x0  }
0x7b: {  	[sflag:s23] =	ssyncadd.s32 $0xFFFFFFC0  }
0x7c: {  	_ =	swait.ge [sflag:s1], $0x2000  }
0x7d: {  	[sflag:s1] =	ssyncset.done $0x0  }
0x7e: {  	[sflag:s1] =	ssyncadd.s32 $0xFFFFE000  }
0x7f: {  	_ =	swait.ge [sflag:s1], $0x2000  }
0x80: {  	s19 =	sshrl.u32 s18, $0x3;
	[sflag:s1] =	ssyncset.done $0x0  }
0x81: {  	s19 =	sadd.s32 s5, s19;
	[sflag:s1] =	ssyncadd.s32 $0xFFFFE000  }
0x82: {  	[tilespmem:s28], [sflag:$0x1] =	stream.strided.gather [hbm4b:s19+s25], $0x2000, s26, s25, $0x38;
	[tilespmem:$0x1E280] =	vst v63  }
0x83: {  	s15 =	sadd.s32 s15, s21  }
0x84: {  	[tilespmem:s29], [sflag:$0x2] =	stream.strided.gather [hbm4b:s15+s25], $0x2000, s26, s25, $0x38;
	[tilespmem:$0x1E280] =	vst v63  }
0x85: {  	_ =	swait.ge [sflag:s30], $0x2000  }
0x86: {  	[sflag:s30] =	ssyncset.done $0x0  }
.Ltmp4:
0x87: {  	[sflag:s30] =	ssyncadd.s32 $0xFFFFE000;
	(pc) =	sbr.rel @p1 .LBB2_6-.Ltmp4, $4  }
0x88: {  	[spmem:s3] =	stream.indirect.scatter.add.f32 [tilespmem:s28], [sflag:$0x3], $0x80, s22, s31, $0xb8;
	[tilespmem:$0x1E280] =	vst v63  }
0x89: {  	_ =	swait.ge [sflag:s0], $0x2000  }
0x8a: {  	[sflag:s0] =	ssyncset.done $0x0  }
0x8b: {  	s20 =	sadd.s32 $0x10, s20;
	s18 =	sadd.s32 $0xC000, s18;
	[sflag:s0] =	ssyncadd.s32 $0xFFFFE000  }
0x8c: {  	[spmem:s3] =	stream.indirect.scatter.add.f32 [tilespmem:s29], [sflag:$0x3], $0x80, s24, s31, $0xb8;
	[tilespmem:$0x1E280] =	vst v63  }
0x8d: {  	_ =	swait.ge [sflag:s1], $0x2000  }
0x8e: {  	[sflag:s1] =	ssyncset.done $0x0  }
0x8f: {  	[sflag:s1] =	ssyncadd.s32 $0xFFFFE000  }
0x90: {  	_ =	swait.ge [sflag:s1], $0x2000  }
0x91: {  	s18 =	simm.s32 $0x0;
	[sflag:s1] =	ssyncset.done $0x0  }
0x92: {  	s15 =	simm.s32 $0x1A200;
	s2 =	rddreg [dreg:$0x5];
	[sflag:s1] =	ssyncadd.s32 $0xFFFFE000  }
0x93: {  	[tilespmem:s15], [sflag:$0x4] =	stream.linear.gather [hbm4b:s2+s18], $0x20, $0x38;
	[tilespmem:$0x1E280] =	vst v63  }
0x94: {  	_ =	swait.ge [sflag:s23], $0x20  }
0x95: {  	[sflag:s23] =	ssyncset.done $0x0  }
0x96: {  	s19 =	rddreg [dreg:$0x6];
	[sflag:s23] =	ssyncadd.s32 $0xFFFFFFE0  }
0x97: {  	[tilespmem:s28], [sflag:$0x4] =	stream.strided.gather [hbm4b:s19+s25], $0x1000, s26, s25, $0x38;
	[tilespmem:$0x1E280] =	vst v63  }
0x98: {  	_ =	swait.ge [sflag:s23], $0x1000  }
0x99: {  	[sflag:s23] =	ssyncset.done $0x0  }
0x9a: {  	s20 =	simm.s32 $0x20;
	[sflag:s23] =	ssyncadd.s32 $0xFFFFF000  }
0x9b: {  	[spmem:s3] =	stream.indirect.scatter.add.f32 [tilespmem:s28], [sflag:$0x4], $0x80, s15, s20, $0xb8;
	[tilespmem:$0x1E280] =	vst v63  }
.Ltmp5:
0x9c: {  	_ =	swait.ge [sflag:s23], $0x1000;
	(pc) =	sbr.rel .LBB2_8-.Ltmp5, $3  }
0x9d: {  	[sflag:s23] =	ssyncset.done $0x0  }
0x9e: {  	[sflag:s23] =	ssyncadd.s32 $0xFFFFF000  }
0x9f: {  	[bflag:$0x0] =	sbarrier.arrive $0xFFFF;
	_ =	sdelay $0x1  }
.LBB2_12:
0xa0: {  	s18 =	sadd.s32 $0x1, s18  }
0xa1: {  	p1 =	sne.s32 s18, $0x28  }
.Ltmp6:
0xa2: {  	_ = 	snop;
	(pc) =	sbr.rel @!p1 .LBB2_13-.Ltmp6, $1  }
0xa3: {  	_ =	sdelay $0x3  }
.LBB2_8:
0xa4: {  	s2 =	sadd.s32 s9, s18  }
0xa5: {  	p1 =	sgt.u32 s2, $0x270  }
.Ltmp7:
0xa6: {  	_ = 	snop;
	(pc) =	sbr.rel @p1 .LBB2_12-.Ltmp7, $1  }
0xa7: {  	_ =	sdelay $0x3  }
0xa8: {  	s15 =	sshll.u32 s2, $0xB  }
0xa9: {  	s15 =	sand.u32 $0x3FFFF800, s15  }
0xaa: {  	s15 =	sadd.s32 s15, s3  }
0xab: {  	[tilespmem:s12], [sflag:$0x5] =	stream.linear.gather [spmem:s15], $0x800, $0x38;
	[tilespmem:$0x1E280] =	vst v63  }
0xac: {  	_ =	swait.ge [sflag:s14], $0x800  }
0xad: {  	[sflag:s14] =	ssyncset.done $0x0  }
0xae: {  	s20 =	simm.s32 $0x0;
	[sflag:s14] =	ssyncadd.s32 $0xFFFFF800  }
0xaf: {  	v4 =	vld [tilespmem:s20+$0x19100]  }
0xb0: {  	v6 =	vld [tilespmem:s20+$0x19110]  }
0xb1: {  	v5 =	vld [tilespmem:s20+$0x19120]  }
0xb2: {  	v3 =	vld [tilespmem:s20+$0x19130]  }
0xb3: {  	v1 =	vld [tilespmem:s20+$0x19140]  }
0xb4: {  	v2 =	vld [tilespmem:s20+$0x19150];
	v7 =	vmul.f32 $1.767766920e-01, v4  }
0xb5: {  	s15 =	simm.s32 $0x200;
	v6 =	vmul.f32 $1.767766920e-01, v6;
	v4 =	vld [tilespmem:s20+$0x19160]  }
.LBB2_10:
0xb6: {  	s19 =	sshra.s32 s15, $0x2;
	p1 =	sne.s32 s15, $0x1E00;
	[tilespmem:s20+$0x19100] =	vst v7;
	v5 =	vmul.f32 $1.767766920e-01, v5;
	v7 =	vld [tilespmem:s20+$0x19170]  }
0xb7: {  	v8 =	vld [tilespmem:s19+$0x19100];
	[tilespmem:s20+$0x19110] =	vst v6;
	v3 =	vmul.f32 $1.767766920e-01, v3  }
0xb8: {  	v6 =	vld [tilespmem:s19+$0x19110];
	[tilespmem:s20+$0x19120] =	vst v5;
	v1 =	vmul.f32 $1.767766920e-01, v1  }
.Ltmp8:
0xb9: {  	v5 =	vld [tilespmem:s19+$0x19120];
	[tilespmem:s20+$0x19130] =	vst v3;
	v2 =	vmul.f32 $1.767766920e-01, v2;
	(pc) =	sbr.rel @p1 .LBB2_10-.Ltmp8, $4  }
0xba: {  	v3 =	vld [tilespmem:s19+$0x19130];
	[tilespmem:s20+$0x19140] =	vst v1;
	v4 =	vmul.f32 $1.767766920e-01, v4  }
0xbb: {  	v1 =	vld [tilespmem:s19+$0x19140];
	[tilespmem:s20+$0x19150] =	vst v2;
	v9 =	vmul.f32 $1.767766920e-01, v7  }
0xbc: {  	v7 =	vmul.f32 $1.767766920e-01, v8;
	v2 =	vld [tilespmem:s19+$0x19150];
	[tilespmem:s20+$0x19160] =	vst v4  }
0xbd: {  	s15 =	sadd.s32 $0x200, s15;
	v6 =	vmul.f32 $1.767766920e-01, v6;
	v4 =	vld [tilespmem:s19+$0x19160];
	[tilespmem:s20+$0x19170] =	vst v9;
	s20 =	smov.u32 s19  }
0xbe: {  	[tilespmem:s20+$0x19100] =	vst v7;
	v5 =	vmul.f32 $1.767766920e-01, v5;
	v63 =	vld [tilespmem:s20+$0x19170]  }
0xbf: {  	[tilespmem:s20+$0x19110] =	vst v6;
	v3 =	vmul.f32 $1.767766920e-01, v3  }
0xc0: {  	[tilespmem:s20+$0x19120] =	vst v5;
	v1 =	vmul.f32 $1.767766920e-01, v1  }
0xc1: {  	[tilespmem:s20+$0x19130] =	vst v3;
	v2 =	vmul.f32 $1.767766920e-01, v2  }
0xc2: {  	s2 =	sshll.u32 s2, $0xC;
	[tilespmem:s20+$0x19140] =	vst v1;
	v1 =	vmul.f32 $1.767766920e-01, v4  }
0xc3: {  	s2 =	sor.u32 s8, s2;
	[tilespmem:s20+$0x19150] =	vst v2;
	v2 =	vmul.f32 $1.767766920e-01, v63  }
0xc4: {  	s15 =	rddreg [dreg:$0x1];
	s2 =	sshrl.u32 s2, $0x3;
	[tilespmem:s20+$0x19160] =	vst v1  }
.Ltmp9:
0xc5: {  	s2 =	sadd.s32 s15, s2;
	[tilespmem:s20+$0x19170] =	vst v2;
	s20 =	simm.s32 $0x800;
	(pc) =	sbr.rel .LBB2_12-.Ltmp9, $4  }
0xc6: {  	[hbm4b:s2+s25] =	stream.strided.scatter [tilespmem:s12], [sflag:$0x4], $0x800, s20, s25, $0x38;
	[tilespmem:$0x1E280] =	vst v63  }
0xc7: {  	_ =	swait.ge [sflag:s23], $0x800  }
0xc8: {  	[sflag:s23] =	ssyncset.done $0x0  }
0xc9: {  	[sflag:s23] =	ssyncadd.s32 $0xFFFFF800  }
.LBB2_13:
0xca: {  	s2 =	sadd.s32 $0x0, s9  }
0xcb: {  	[bflag:$0x0] =	sbarrier.arrive $0xFFFF;
	p1 =	sgt.u32 s2, $0x270  }
0xcc: {  	s19 =	rddreg [dreg:$0xb];
	s2 =	simm.s32 @!p1 $0x13880;
	s20 =	simm.s32 @!p1 $0x4  }
0xcd: {  	[spmem:s19] =	stream.linear.scatter @!p1 [tilespmem:s2], [sflag:$0x4], $0x800, $0x38;
	[tilespmem:$0x1E280] =	vst v63  }
0xce: {  	s15 =	simm.s32 $0x1;
	_ =	swait.ge @!p1 [sflag:s20], $0x800  }
0xcf: {  	s18 =	simm.s32 $0x2;
	s2 =	sadd.s32 $0x800, s19;
	[sflag:s20] =	ssyncset.done @!p1 $0x0  }
.LBB2_14:
0xd0: {  	s19 =	sadd.s32 s15, s9;
	s15 =	smov.u32 s18;
	s18 =	sadd.s32 $0x1, s18  }
0xd1: {  	[sflag:s20] =	ssyncadd.s32 @!p1 $0xFFFFF800;
	p2 =	sne.s32 s18, $0x28  }
.Ltmp10:
0xd2: {  	p1 =	sgt.u32 s19, $0x270;
	(pc) =	sbr.rel @p2 .LBB2_14-.Ltmp10, $4  }
0xd3: {  	s19 =	simm.s32 @!p1 $0x13880;
	s20 =	simm.s32 @!p1 $0x4  }
0xd4: {  	[spmem:s2] =	stream.linear.scatter @!p1 [tilespmem:s19], [sflag:$0x4], $0x800, $0x38;
	[tilespmem:$0x1E280] =	vst v63  }
0xd5: {  	_ =	swait.ge @!p1 [sflag:s20], $0x800  }
0xd6: {  	s2 =	sadd.s32 $0x800, s2;
	[sflag:s20] =	ssyncset.done @!p1 $0x0  }
0xd7: {  	s15 =	sadd.s32 s15, s9  }
0xd8: {  	p2 =	sgt.u32 s15, $0x270  }
0xd9: {  	[sflag:s20] =	ssyncadd.s32 @!p1 $0xFFFFF800;
	s15 =	simm.s32 @!p2 $0x13880;
	s18 =	simm.s32 @!p2 $0x4  }
0xda: {  	[spmem:s2] =	stream.linear.scatter @!p2 [tilespmem:s15], [sflag:$0x4], $0x800, $0x38;
	[tilespmem:$0x1E280] =	vst v63  }
0xdb: {  	_ =	swait.ge @!p2 [sflag:s18], $0x800  }
0xdc: {  	[sflag:s18] =	ssyncset.done @!p2 $0x0  }
0xdd: {  	s2 =	simm.s32 $0x0;
	[sflag:s18] =	ssyncadd.s32 @!p2 $0xFFFFF800  }
0xde: {  	[tilespmem:s2+$0x14170] =	vst v0  }
0xdf: {  	[tilespmem:s2+$0x14120] =	vst v0  }
0xe0: {  	[tilespmem:s2+$0x14130] =	vst v0  }
0xe1: {  	[tilespmem:s2+$0x14140] =	vst v0  }
0xe2: {  	s15 =	simm.s32 $0x200;
	[tilespmem:s2+$0x14150] =	vst v0  }
.LBB2_16:
0xe3: {  	p1 =	sne.s32 s15, $0x9E00;
	[tilespmem:s2+$0x14160] =	vst v0;
	s2 =	sshra.s32 s15, $0x2;
	s15 =	sadd.s32 $0x200, s15  }
.Ltmp11:
0xe4: {  	[tilespmem:s2+$0x14170] =	vst v0;
	(pc) =	sbr.rel @p1 .LBB2_16-.Ltmp11, $4  }
0xe5: {  	[tilespmem:s2+$0x14120] =	vst v0  }
0xe6: {  	[tilespmem:s2+$0x14130] =	vst v0  }
0xe7: {  	[tilespmem:s2+$0x14140] =	vst v0  }
0xe8: {  	[tilespmem:s2+$0x14150] =	vst v0  }
0xe9: {  	[tilespmem:s2+$0x14160] =	vst v0  }
0xea: {  	s2 =	simm.s32 $0x0;
	s18 =	simm.s32 $0x0;
	[bflag:$0x0] =	sbarrier.arrive $0xFFFF  }
.LBB2_18:
0xeb: {  	s15 =	smul.u32 $0x50, s18;
	_ =	sdelay $0x1  }
0xec: {  	s15 =	sadd.s32 s13, s15  }
0xed: {  	s15 =	sshrl.u32 s15, $0x3  }
0xee: {  	s19 =	sadd.s32 s6, s15;
	s15 =	smul.u32 $0xC00, s15  }
0xef: {  	[tilespmem:s16], [sflag:$0x4] =	stream.linear.gather [hbm4b:s19+s2], $0x50, $0x38;
	[tilespmem:$0x1E280] =	vst v63  }
0xf0: {  	_ =	swait.ge [sflag:s23], $0x50;
	s15 =	sshrl.u32 s15, $0x3  }
0xf1: {  	[sflag:s23] =	ssyncset.done $0x0;
	s15 =	sadd.s32 s5, s15  }
0xf2: {  	[sflag:s23] =	ssyncadd.s32 $0xFFFFFFB0;
	s15 =	sadd.s32 $0x100, s15  }
0xf3: {  	[tilespmem:s17], [sflag:$0x4] =	stream.strided.gather [hbm4b:s15+s25], $0x2800, s26, s25, $0x38;
	[tilespmem:$0x1E280] =	vst v63  }
0xf4: {  	_ =	swait.ge [sflag:s23], $0x2800  }
0xf5: {  	[sflag:s23] =	ssyncset.done $0x0  }
0xf6: {  	s15 =	simm.s32 $0x0;
	[sflag:s23] =	ssyncadd.s32 $0xFFFFD800  }
0xf7: {  	v1 =	vld [tilespmem:s15+$0x16910]  }
0xf8: {  	s20 =	simm.s32 $0x200;
	v2 =	vld [tilespmem:s15+$0x16900]  }
.LBB2_19:
0xf9: {  	p1 =	sne.s32 s20, $0x9E00  }
.Ltmp12:
0xfa: {  	_ = 	snop;
	(pc) =	sbr.rel @p1 .LBB2_19-.Ltmp12, $4  }
0xfb: {  	_ = 	snop  }
0xfc: {  	s19 =	sshra.s32 s20, $0x2;
	s20 =	sadd.s32 $0x200, s20;
	[tilespmem:s15+$0x14110] =	vst v1  }
0xfd: {  	v1 =	vld [tilespmem:s19+$0x16910];
	[tilespmem:s15+$0x14100] =	vst v2;
	s15 =	smov.u32 s19  }
0xfe: {  	v2 =	vld [tilespmem:s15+$0x16900]  }
0xff: {  	_ =	sdelay $0x1  }
0x100: {  	s18 =	sadd.s32 $0x1, s18  }
0x101: {  	p1 =	sne.s32 s18, $0x7D;
	[tilespmem:s15+$0x14110] =	vst v1  }
.Ltmp13:
0x102: {  	[tilespmem:s15+$0x14100] =	vst v2;
	(pc) =	sbr.rel @p1 .LBB2_18-.Ltmp13, $4  }
0x103: {  	[spmem:s3] =	stream.indirect.scatter.add.f32 [tilespmem:s11], [sflag:$0x4], $0x80, s16, s10, $0xb8;
	[tilespmem:$0x1E280] =	vst v63  }
0x104: {  	_ =	swait.ge [sflag:s23], $0x2800  }
0x105: {  	[sflag:s23] =	ssyncset.done $0x0  }
0x106: {  	[sflag:s23] =	ssyncadd.s32 $0xFFFFD800  }
.Ltmp14:
0x107: {  	(pc) =	sbr.rel .LBB2_22-.Ltmp14, $3  }
0x108: {  	_ =	sdelay $0x1  }
0x109: {  	[bflag:$0x0] =	sbarrier.arrive $0xFFFF  }
0x10a: {  	s2 =	simm.s32 $0x0  }
.LBB2_26:
0x10b: {  	s2 =	sadd.s32 $0x1, s2  }
0x10c: {  	p1 =	sne.s32 s2, $0x28  }
.Ltmp15:
0x10d: {  	_ = 	snop;
	(pc) =	sbr.rel @!p1 .LBB2_27-.Ltmp15, $1  }
0x10e: {  	_ =	sdelay $0x3  }
.LBB2_22:
0x10f: {  	s15 =	sadd.s32 s9, s2  }
0x110: {  	p1 =	sgt.u32 s15, $0x270  }
.Ltmp16:
0x111: {  	_ = 	snop;
	(pc) =	sbr.rel @p1 .LBB2_26-.Ltmp16, $1  }
0x112: {  	_ =	sdelay $0x3  }
0x113: {  	s18 =	sshll.u32 s15, $0xB  }
0x114: {  	s18 =	sand.u32 $0x3FFFF800, s18  }
0x115: {  	s18 =	sadd.s32 s18, s3  }
0x116: {  	[tilespmem:s12], [sflag:$0x5] =	stream.linear.gather [spmem:s18], $0x800, $0x38;
	[tilespmem:$0x1E280] =	vst v63  }
0x117: {  	_ =	swait.ge [sflag:s14], $0x800  }
0x118: {  	[sflag:s14] =	ssyncset.done $0x0  }
0x119: {  	s18 =	simm.s32 $0x0;
	[sflag:s14] =	ssyncadd.s32 $0xFFFFF800  }
0x11a: {  	v1 =	vld [tilespmem:s18+$0x19110]  }
0x11b: {  	s20 =	simm.s32 $0x200;
	v2 =	vld [tilespmem:s18+$0x19100]  }
.LBB2_24:
0x11c: {  	p1 =	sne.s32 s20, $0x1E00  }
.Ltmp17:
0x11d: {  	_ = 	snop;
	(pc) =	sbr.rel @p1 .LBB2_24-.Ltmp17, $4  }
0x11e: {  	_ = 	snop  }
0x11f: {  	s19 =	sshra.s32 s20, $0x2;
	s20 =	sadd.s32 $0x200, s20;
	[tilespmem:s18+$0x19910] =	vst v1  }
0x120: {  	v1 =	vld [tilespmem:s19+$0x19110];
	[tilespmem:s18+$0x19900] =	vst v2;
	s18 =	smov.u32 s19  }
0x121: {  	v2 =	vld [tilespmem:s18+$0x19100]  }
0x122: {  	_ =	sdelay $0x2  }
0x123: {  	s15 =	sshll.u32 s15, $0x8;
	s19 =	simm.s32 $0x4;
	s20 =	simm.s32 $0x19900;
	[tilespmem:s18+$0x19910] =	vst v1  }
.Ltmp18:
0x124: {  	s19 =	simm.s32 @!p0 $0x5;
	s15 =	sadd.s32 s7, s15;
	[tilespmem:s18+$0x19900] =	vst v2;
	(pc) =	sbr.rel .LBB2_26-.Ltmp18, $4  }
0x125: {  	[hbm4b:s15+s4] =	stream.linear.scatter [tilespmem:s20], [sflag:s19], $0x800, $0x38;
	[tilespmem:$0x1E280] =	vst v63  }
0x126: {  	_ =	swait.ge [sflag:s19], $0x800  }
0x127: {  	[sflag:s19] =	ssyncset.done $0x0  }
0x128: {  	[sflag:s19] =	ssyncadd.s32 $0xFFFFF800  }
.LBB2_28:
0x129: {  	_ =	sfence.sel $0x180000  }
0x12a: {  	[bflag:$0x0] =	sbarrier.arrive $0xFFFF  }
0x12b: {  	_ =	strace $0x9000004A  }
0x12c: {  	s0 =	stileid.u32;
	[bflag:$0x2] =	sbarrier.arrive $0xFFFF  }
0x12d: {  	p0 =	sne.s32 s0, $0x0;
	s0 =	rddreg [dreg:$0x3]  }
0x12e: {  	s0 =	sadd.s32 @!p0 $0x100000, s0  }
0x12f: {  	[sflag:s0] =	ssyncadd.tile.s32 @!p0 $0x1;
	_ =	shalt  }
.Lfunc_end2:
_tile_overlayer_lowered:
.L_overlay_start_2:
0x130: {  	(tag) =	ssettag $0x2  }
0x131: {  	s0 =	rddreg [dreg:$0x0];
	s2 =	stileid.u32  }
0x132: {  	s1 =	rddreg [dreg:$0x1];
	p0 =	sne.s32 s2, $0x0  }
0x133: {  	s3 =	rddreg [dreg:$0x2];
	[bflag:$0x3] =	sbarrier.arrive $0xFFFF;
	s2 =	simm.s32 @!p0 $0x1C04  }
0x134: {  	[timem:s3], [sflag:s2] =	dma.local @!p0 [hbm:s0], s1  }
0x135: {  	s0 =	simm.s32 @!p0 $0x4  }
0x136: {  	_ =	swait.ge @!p0 [sflag:s0], s1  }
0x137: {  	s1 =	ssub.s32 @!p0 $0x0, s1;
	[sflag:s0] =	ssyncset.done @!p0 $0x0  }
0x138: {  	[sflag:s0] =	ssyncadd.s32 @!p0 s1  }
0x139: {  	[bflag:$0x3] =	sbarrier.arrive $0xFFFF  }
0x13a: {  	_ =	shalt  }

</sc_bundles>
